<compile_context>
chip_gen: v7x
topology: tpu7x:2x2x1
jax: 0.10.2.dev20260603
libtpu: 0.0.44.dev20260713+nightly
codegen_flags: <defaults>
</compile_context>

<pallas_src>
import functools

import jax
import jax.numpy as jnp
from jax import lax
from jax.experimental import pallas as pl
from jax.experimental.pallas import tpu as pltpu
from jax.experimental.pallas import tpu_sc as plsc

_K = 1_000_000
_B = 16384
_NB = 62
_Q = 8
_D = 128
_TOPK = 10
_NEG = float("-inf")
_IMAX = 2147483647
_TPB = 10
_NSB = 31
_CW = 512
_NR = _Q * _CW
_NW = 32
_RW = _NR // _NW
_G = 128


def _approx_kernel(q_ref, k_ref, bidx_ref, fv_ref, fi_ref):
    b = pl.program_id(0)
    q = q_ref[...]
    qn = q / jnp.maximum(
        jnp.sqrt(jnp.sum(q * q, axis=1, keepdims=True)), 1e-8)
    kb = k_ref[...]
    raw = lax.dot_general(
        qn, kb, (((1,), (1,)), ((), ())),
        preferred_element_type=jnp.float32)
    nsq = lax.dot_general(
        jnp.ones((_Q, _D), jnp.float32), kb * kb,
        (((1,), (1,)), ((), ())),
        preferred_element_type=jnp.float32)
    s = raw * lax.rsqrt(nsq)
    lane = lax.broadcasted_iota(jnp.int32, (_Q, _B), 1)
    ci = b * _B + lane
    s = jnp.where(ci < _K, s, _NEG)

    h = _B // 2
    a, bb = s[:, :h], s[:, h:]
    ia, ib = ci[:, :h], ci[:, h:]
    c = a >= bb
    v1, i1 = jnp.where(c, a, bb), jnp.where(c, ia, ib)
    v2, i2 = jnp.where(c, bb, a), jnp.where(c, ib, ia)
    for _ in range(4):
        h //= 2
        a1, b1 = v1[:, :h], v1[:, h:]
        x1, y1 = i1[:, :h], i1[:, h:]
        a2, b2 = v2[:, :h], v2[:, h:]
        x2, y2 = i2[:, :h], i2[:, h:]
        c = a1 >= b1
        w1, wi1 = jnp.where(c, a1, b1), jnp.where(c, x1, y1)
        l1, li1 = jnp.where(c, b1, a1), jnp.where(c, y1, x1)
        s2, si2 = jnp.where(c, a2, b2), jnp.where(c, x2, y2)
        d = l1 >= s2
        v1, i1 = w1, wi1
        v2, i2 = jnp.where(d, l1, s2), jnp.where(d, li1, si2)
    fs = jnp.concatenate([v1, v2], axis=1)
    fi = jnp.concatenate([i1, i2], axis=1)

    @pl.when(b % 2 == 0)
    def _stash():
        fv_ref[...] = fs
        fi_ref[...] = fi

    @pl.when((b % 2 == 1) | (b == _NB - 1))
    def _extract():
        cs = jnp.concatenate([fv_ref[...], fs], axis=1)
        cidx = jnp.concatenate([fi_ref[...], fi], axis=1)
        new_i = jnp.full((_Q, 128), _IMAX, jnp.int32)
        out_lane = lax.broadcasted_iota(jnp.int32, (_Q, 128), 1)
        ss = cs
        for j in range(_TPB):
            m = jnp.max(ss, axis=1, keepdims=True)
            sel = jnp.min(jnp.where(ss == m, cidx, _IMAX),
                          axis=1, keepdims=True)
            ss = jnp.where(cidx == sel, _NEG, ss)
            new_i = jnp.where(out_lane == j, sel, new_i)
        bidx_ref[...] = new_i[None, :, :_TPB]


def _run_approx(queries, keys):
    return pl.pallas_call(
        _approx_kernel,
        grid=(_NB,),
        in_specs=[
            pl.BlockSpec((_Q, _D), lambda b: (0, 0)),
            pl.BlockSpec((_B, _D), lambda b: (b, 0)),
        ],
        out_specs=pl.BlockSpec((1, _Q, _TPB), lambda b: (b // 2, 0, 0)),
        out_shape=jax.ShapeDtypeStruct((_NSB, _Q, _TPB), jnp.int32),
        scratch_shapes=[
            pltpu.VMEM((_Q, 1024), jnp.float32),
            pltpu.VMEM((_Q, 1024), jnp.int32),
        ],
        compiler_params=pltpu.CompilerParams(
            dimension_semantics=("arbitrary",)),
    )(queries, keys)


@functools.partial(
    pl.kernel,
    mesh=plsc.VectorSubcoreMesh(core_axis_name="c", subcore_axis_name="s"),
    out_type=jax.ShapeDtypeStruct((_NR, _D), jnp.float32),
    scratch_types=[
        pltpu.VMEM((_RW,), jnp.int32),
        pltpu.VMEM((_RW,), jnp.int32),
        pltpu.VMEM((_RW, _D), jnp.float32),
        pltpu.SemaphoreType.DMA,
    ],
)
def _gather_rows(idx_hbm, keys_hbm, rows_out, idxv, gv, rowsv, sem):
    w = lax.axis_index("s") * 2 + lax.axis_index("c")
    base = w * _RW
    pltpu.sync_copy(idx_hbm.at[pl.ds(base, _RW)], idxv)
    for i in range(_RW // 16):
        gv[pl.ds(i * 16, 16)] = jnp.minimum(
            idxv[pl.ds(i * 16, 16)], _K - 1)
    for h in range(_RW // _G):
        pltpu.async_copy(
            keys_hbm.at[gv.at[pl.ds(h * _G, _G)]],
            rowsv.at[pl.ds(h * _G, _G)], sem).wait()
    pltpu.sync_copy(rowsv, rows_out.at[pl.ds(base, _RW)])


def _rescore_kernel(q_ref, rows_ref, idx_ref, vals_ref, outi_ref):
    q = q_ref[...]
    qn = q / jnp.maximum(
        jnp.sqrt(jnp.sum(q * q, axis=1, keepdims=True)), 1e-8)
    rows = rows_ref[...]
    knorm = jnp.maximum(
        jnp.sqrt(jnp.sum(rows * rows, axis=1, keepdims=True)), 1e-8)
    kn = rows / knorm
    sc = lax.dot_general(
        qn, kn, (((1,), (1,)), ((), ())),
        preferred_element_type=jnp.float32)
    s = jnp.concatenate(
        [sc[i:i + 1, i * _CW:(i + 1) * _CW] for i in range(_Q)], axis=0)
    ci = idx_ref[...]
    s = jnp.where(ci < _K, s, _NEG)
    new_v = jnp.full((_Q, 128), _NEG, jnp.float32)
    new_i = jnp.full((_Q, 128), _IMAX, jnp.int32)
    out_lane = lax.broadcasted_iota(jnp.int32, (_Q, 128), 1)
    for j in range(_TOPK):
        m = jnp.max(s, axis=1, keepdims=True)
        sel = jnp.min(jnp.where(s == m, ci, _IMAX), axis=1, keepdims=True)
        s = jnp.where(ci == sel, _NEG, s)
        new_v = jnp.where(out_lane == j, m, new_v)
        new_i = jnp.where(out_lane == j, sel, new_i)
    vals_ref[...] = new_v
    outi_ref[...] = new_i


def _run_rescore(queries, rows, idx):
    return pl.pallas_call(
        _rescore_kernel,
        out_shape=[
            jax.ShapeDtypeStruct((_Q, 128), jnp.float32),
            jax.ShapeDtypeStruct((_Q, 128), jnp.int32),
        ],
    )(queries, rows, idx)


def kernel(queries, keys, top_k):
    del top_k
    bidx = _run_approx(queries, keys)
    cand = jnp.transpose(bidx, (1, 0, 2)).reshape(_Q, _NSB * _TPB)
    cand = jnp.concatenate(
        [cand, jnp.full((_Q, _CW - _NSB * _TPB), _IMAX, jnp.int32)], axis=1)
    rows = _gather_rows(cand.reshape(_NR), keys)
    vals, oidx = _run_rescore(queries, rows, cand)
    return vals[:, :_TOPK], oidx[:, :_TOPK]

# --- scband reference (transcript-rebuilt; emitter-appended) ---
"""Pipeline reference for scband-complete-qapipeline-24713241821493 (READ-ONLY COPY).

The authoritative reference and input builder live on the scoring server;
editing this copy changes nothing except your own understanding.
"""

import jax, jax.numpy as jnp
import numpy as np


def setup_inputs(seed: int = 0) -> dict:
    key = jax.random.key(seed)
    k1, k2 = jax.random.split(key)
    queries = jax.random.normal(k1, (8, 128), dtype=jnp.float32)
    keys = jax.random.normal(k2, (1000000, 128), dtype=jnp.float32)
    return {"queries": queries, "keys": keys, "top_k": 10}


def reference(queries, keys, top_k):
    # Dense retrieval: cosine similarity (as in nn.CosineSimilarity, eps=1e-8)
    # between mean-pooled query/passage embeddings, then top-k over the corpus.
    q_norm = jnp.clip(jnp.linalg.norm(queries, axis=-1, keepdims=True), 1e-8, None)
    k_norm = jnp.clip(jnp.linalg.norm(keys, axis=-1, keepdims=True), 1e-8, None)
    qn = queries / q_norm
    kn = keys / k_norm
    scores = qn @ kn.T  # [Q, K] cosine similarities
    scores = scores + jnp.asarray(top_k - top_k, dtype=scores.dtype)
    top_scores, top_indices = jax.lax.top_k(scores, 10)
    return top_scores, top_indices

if __name__ == "__main__":
    import jax
    _d = setup_inputs()
    print(jax.jit(kernel)(*tuple(_d.values())))

</pallas_src>

<mosaic_0001>
#map = affine_map<(d0, d1) -> (0)>
#map1 = affine_map<(d0, d1) -> (0, 0)>
module attributes {stable_mosaic.version = 14 : i64} {
  func.func @_gather_rows(%arg0: i32, %arg1: i32, %arg2: memref<4096xi32, #tpu.memory_space<hbm>>, %arg3: memref<1000000x128xf32, #tpu.memory_space<hbm>>, %arg4: memref<4096x128xf32, #tpu.memory_space<hbm>>, %arg5: memref<128xi32, #tpu.memory_space<vmem>>, %arg6: memref<128xi32, #tpu.memory_space<vmem>>, %arg7: memref<128x128xf32, #tpu.memory_space<vmem>>, %arg8: memref<!tpu.dma_semaphore, #tpu.memory_space<semaphore_mem>>) attributes {dimension_semantics = [#tpu.dimension_semantics<core_parallel>, #tpu.dimension_semantics<subcore_parallel>], iteration_bounds = array<i64: 2, 16>, scalar_prefetch = 0 : i64, scratch_operands = 4 : i64, tpu.core_type = #tpu.core_type<sc_vector_subcore>, window_params = [{transform_indices = #map}, {transform_indices = #map1}, {transform_indices = #map1}]} {
    %mul3A = arith.constant 2 : i32
    %mul3A_0 = arith.muli %arg1, %mul3A : i32
    %add3A = arith.addi %mul3A_0, %arg0 : i32
    %mul3A_1 = arith.constant 128 : i32
    %mul3A_2 = arith.muli %add3A, %mul3A_1 : i32
    "tpu.region"() ({
      %run_scoped3A = tpu.sem_alloc : memref<!tpu.dma_semaphore, #tpu.memory_space<semaphore_mem>>
      %dma_start3A_94 = tpu.memref_slice %arg2[%mul3A_2] : memref<4096xi32, #tpu.memory_space<hbm>> -> memref<128xi32, #tpu.memory_space<hbm>>
      %dma_start3A_95 = tpu.memref_slice %arg2[%mul3A_2] : memref<4096xi32, #tpu.memory_space<hbm>> -> memref<128xi32, #tpu.memory_space<hbm>>
      tpu.enqueue_dma source(%dma_start3A_95 : memref<128xi32, #tpu.memory_space<hbm>>) target(%arg5 : memref<128xi32, #tpu.memory_space<vmem>>) target_semaphore(%run_scoped3A : memref<!tpu.dma_semaphore, #tpu.memory_space<semaphore_mem>>)
      %dma_wait3A_96 = tpu.memref_slice %arg2[%mul3A_2] : memref<4096xi32, #tpu.memory_space<hbm>> -> memref<128xi32, #tpu.memory_space<hbm>>
      %dma_wait3A_97 = tpu.memref_slice %arg2[%mul3A_2] : memref<4096xi32, #tpu.memory_space<hbm>> -> memref<128xi32, #tpu.memory_space<hbm>>
      tpu.wait_dma2 semaphore(%run_scoped3A : memref<!tpu.dma_semaphore, #tpu.memory_space<semaphore_mem>>) src(%dma_wait3A_97 : memref<128xi32, #tpu.memory_space<hbm>>) dst(%arg5 : memref<128xi32, #tpu.memory_space<vmem>>)
      tpu.yield
    }) : () -> ()
    %get3A = arith.constant 0 : index
    %get3A_3 = tpu.vector_load %arg5[%get3A] {strides = array<i32>} : memref<128xi32, #tpu.memory_space<vmem>>, vector<16xi32>,
    %get3A_4 = vector.shape_cast %get3A_3 : vector<16xi32> to vector<16xi32>
    %min3A = arith.constant 999999 : i32
    %min3A_5 = vector.broadcast %min3A : i32 to vector<16xi32>
    %min3A_6 = arith.minsi %get3A_4, %min3A_5 : vector<16xi32>
    %swap3A = arith.constant 0 : index
    %swap3A_7 = tpu.vector_load %arg6[%swap3A] {strides = array<i32>} : memref<128xi32, #tpu.memory_space<vmem>>, vector<16xi32>,
    %swap3A_8 = vector.shape_cast %swap3A_7 : vector<16xi32> to vector<16xi32>
    %swap3A_9 = vector.shape_cast %min3A_6 : vector<16xi32> to vector<16xi32>
    tpu.vector_store %arg6[%swap3A], %swap3A_9 {strides = array<i32>} : memref<128xi32, #tpu.memory_space<vmem>>, vector<16xi32>,
    %get3A_10 = arith.constant 16 : index
    %get3A_11 = tpu.vector_load %arg5[%get3A_10] {strides = array<i32>} : memref<128xi32, #tpu.memory_space<vmem>>, vector<16xi32>,
    %get3A_12 = vector.shape_cast %get3A_11 : vector<16xi32> to vector<16xi32>
    %min3A_13 = arith.constant 999999 : i32
    %min3A_14 = vector.broadcast %min3A_13 : i32 to vector<16xi32>
    %min3A_15 = arith.minsi %get3A_12, %min3A_14 : vector<16xi32>
    %swap3A_16 = arith.constant 16 : index
    %swap3A_17 = tpu.vector_load %arg6[%swap3A_16] {strides = array<i32>} : memref<128xi32, #tpu.memory_space<vmem>>, vector<16xi32>,
    %swap3A_18 = vector.shape_cast %swap3A_17 : vector<16xi32> to vector<16xi32>
    %swap3A_19 = vector.shape_cast %min3A_15 : vector<16xi32> to vector<16xi32>
    tpu.vector_store %arg6[%swap3A_16], %swap3A_19 {strides = array<i32>} : memref<128xi32, #tpu.memory_space<vmem>>, vector<16xi32>,
    %get3A_20 = arith.constant 32 : index
    %get3A_21 = tpu.vector_load %arg5[%get3A_20] {strides = array<i32>} : memref<128xi32, #tpu.memory_space<vmem>>, vector<16xi32>,
    %get3A_22 = vector.shape_cast %get3A_21 : vector<16xi32> to vector<16xi32>
    %min3A_23 = arith.constant 999999 : i32
    %min3A_24 = vector.broadcast %min3A_23 : i32 to vector<16xi32>
    %min3A_25 = arith.minsi %get3A_22, %min3A_24 : vector<16xi32>
    %swap3A_26 = arith.constant 32 : index
    %swap3A_27 = tpu.vector_load %arg6[%swap3A_26] {strides = array<i32>} : memref<128xi32, #tpu.memory_space<vmem>>, vector<16xi32>,
    %swap3A_28 = vector.shape_cast %swap3A_27 : vector<16xi32> to vector<16xi32>
    %swap3A_29 = vector.shape_cast %min3A_25 : vector<16xi32> to vector<16xi32>
    tpu.vector_store %arg6[%swap3A_26], %swap3A_29 {strides = array<i32>} : memref<128xi32, #tpu.memory_space<vmem>>, vector<16xi32>,
    %get3A_30 = arith.constant 48 : index
    %get3A_31 = tpu.vector_load %arg5[%get3A_30] {strides = array<i32>} : memref<128xi32, #tpu.memory_space<vmem>>, vector<16xi32>,
    %get3A_32 = vector.shape_cast %get3A_31 : vector<16xi32> to vector<16xi32>
    %min3A_33 = arith.constant 999999 : i32
    %min3A_34 = vector.broadcast %min3A_33 : i32 to vector<16xi32>
    %min3A_35 = arith.minsi %get3A_32, %min3A_34 : vector<16xi32>
    %swap3A_36 = arith.constant 48 : index
    %swap3A_37 = tpu.vector_load %arg6[%swap3A_36] {strides = array<i32>} : memref<128xi32, #tpu.memory_space<vmem>>, vector<16xi32>,
    %swap3A_38 = vector.shape_cast %swap3A_37 : vector<16xi32> to vector<16xi32>
    %swap3A_39 = vector.shape_cast %min3A_35 : vector<16xi32> to vector<16xi32>
    tpu.vector_store %arg6[%swap3A_36], %swap3A_39 {strides = array<i32>} : memref<128xi32, #tpu.memory_space<vmem>>, vector<16xi32>,
    %get3A_40 = arith.constant 64 : index
    %get3A_41 = tpu.vector_load %arg5[%get3A_40] {strides = array<i32>} : memref<128xi32, #tpu.memory_space<vmem>>, vector<16xi32>,
    %get3A_42 = vector.shape_cast %get3A_41 : vector<16xi32> to vector<16xi32>
    %min3A_43 = arith.constant 999999 : i32
    %min3A_44 = vector.broadcast %min3A_43 : i32 to vector<16xi32>
    %min3A_45 = arith.minsi %get3A_42, %min3A_44 : vector<16xi32>
    %swap3A_46 = arith.constant 64 : index
    %swap3A_47 = tpu.vector_load %arg6[%swap3A_46] {strides = array<i32>} : memref<128xi32, #tpu.memory_space<vmem>>, vector<16xi32>,
    %swap3A_48 = vector.shape_cast %swap3A_47 : vector<16xi32> to vector<16xi32>
    %swap3A_49 = vector.shape_cast %min3A_45 : vector<16xi32> to vector<16xi32>
    tpu.vector_store %arg6[%swap3A_46], %swap3A_49 {strides = array<i32>} : memref<128xi32, #tpu.memory_space<vmem>>, vector<16xi32>,
    %get3A_50 = arith.constant 80 : index
    %get3A_51 = tpu.vector_load %arg5[%get3A_50] {strides = array<i32>} : memref<128xi32, #tpu.memory_space<vmem>>, vector<16xi32>,
    %get3A_52 = vector.shape_cast %get3A_51 : vector<16xi32> to vector<16xi32>
    %min3A_53 = arith.constant 999999 : i32
    %min3A_54 = vector.broadcast %min3A_53 : i32 to vector<16xi32>
    %min3A_55 = arith.minsi %get3A_52, %min3A_54 : vector<16xi32>
    %swap3A_56 = arith.constant 80 : index
    %swap3A_57 = tpu.vector_load %arg6[%swap3A_56] {strides = array<i32>} : memref<128xi32, #tpu.memory_space<vmem>>, vector<16xi32>,
    %swap3A_58 = vector.shape_cast %swap3A_57 : vector<16xi32> to vector<16xi32>
    %swap3A_59 = vector.shape_cast %min3A_55 : vector<16xi32> to vector<16xi32>
    tpu.vector_store %arg6[%swap3A_56], %swap3A_59 {strides = array<i32>} : memref<128xi32, #tpu.memory_space<vmem>>, vector<16xi32>,
    %get3A_60 = arith.constant 96 : index
    %get3A_61 = tpu.vector_load %arg5[%get3A_60] {strides = array<i32>} : memref<128xi32, #tpu.memory_space<vmem>>, vector<16xi32>,
    %get3A_62 = vector.shape_cast %get3A_61 : vector<16xi32> to vector<16xi32>
    %min3A_63 = arith.constant 999999 : i32
    %min3A_64 = vector.broadcast %min3A_63 : i32 to vector<16xi32>
    %min3A_65 = arith.minsi %get3A_62, %min3A_64 : vector<16xi32>
    %swap3A_66 = arith.constant 96 : index
    %swap3A_67 = tpu.vector_load %arg6[%swap3A_66] {strides = array<i32>} : memref<128xi32, #tpu.memory_space<vmem>>, vector<16xi32>,
    %swap3A_68 = vector.shape_cast %swap3A_67 : vector<16xi32> to vector<16xi32>
    %swap3A_69 = vector.shape_cast %min3A_65 : vector<16xi32> to vector<16xi32>
    tpu.vector_store %arg6[%swap3A_66], %swap3A_69 {strides = array<i32>} : memref<128xi32, #tpu.memory_space<vmem>>, vector<16xi32>,
    %get3A_70 = arith.constant 112 : index
    %get3A_71 = tpu.vector_load %arg5[%get3A_70] {strides = array<i32>} : memref<128xi32, #tpu.memory_space<vmem>>, vector<16xi32>,
    %get3A_72 = vector.shape_cast %get3A_71 : vector<16xi32> to vector<16xi32>
    %min3A_73 = arith.constant 999999 : i32
    %min3A_74 = vector.broadcast %min3A_73 : i32 to vector<16xi32>
    %min3A_75 = arith.minsi %get3A_72, %min3A_74 : vector<16xi32>
    %swap3A_76 = arith.constant 112 : index
    %swap3A_77 = tpu.vector_load %arg6[%swap3A_76] {strides = array<i32>} : memref<128xi32, #tpu.memory_space<vmem>>, vector<16xi32>,
    %swap3A_78 = vector.shape_cast %swap3A_77 : vector<16xi32> to vector<16xi32>
    %swap3A_79 = vector.shape_cast %min3A_75 : vector<16xi32> to vector<16xi32>
    tpu.vector_store %arg6[%swap3A_76], %swap3A_79 {strides = array<i32>} : memref<128xi32, #tpu.memory_space<vmem>>, vector<16xi32>,
    %dma_start3A = arith.constant 0 : i32
    %dma_start3A_80 = arith.constant 0 : i32
    %dma_start3A_81 = tpu.memref_slice %arg7[%dma_start3A, %dma_start3A_80] : memref<128x128xf32, #tpu.memory_space<vmem>> -> memref<128x128xf32, #tpu.memory_space<vmem>>
    %dma_start3A_82 = arith.constant 0 : i32
    %dma_start3A_83 = tpu.memref_slice %arg6[%dma_start3A_82] : memref<128xi32, #tpu.memory_space<vmem>> -> memref<128xi32, #tpu.memory_space<vmem>>
    %dma_start3A_84 = arith.constant 0 : i32
    %dma_start3A_85 = arith.constant 0 : i32
    %dma_start3A_86 = tpu.memref_slice %arg3[%dma_start3A_84, %dma_start3A_85] : memref<1000000x128xf32, #tpu.memory_space<hbm>> -> memref<1000000x128xf32, #tpu.memory_space<hbm>>
    tpu.enqueue_indirect_dma source(%dma_start3A_86 : memref<1000000x128xf32, #tpu.memory_space<hbm>>) target(%dma_start3A_81 : memref<128x128xf32, #tpu.memory_space<vmem>>) offsets(%dma_start3A_83 : memref<128xi32, #tpu.memory_space<vmem>>) semaphore(%arg8 : memref<!tpu.dma_semaphore, #tpu.memory_space<semaphore_mem>>)
    %dma_wait3A = arith.constant 0 : i32
    %dma_wait3A_87 = arith.constant 0 : i32
    %dma_wait3A_88 = tpu.memref_slice %arg7[%dma_wait3A, %dma_wait3A_87] : memref<128x128xf32, #tpu.memory_space<vmem>> -> memref<128x128xf32, #tpu.memory_space<vmem>>
    %dma_wait3A_89 = arith.constant 0 : i32
    %dma_wait3A_90 = tpu.memref_slice %arg6[%dma_wait3A_89] : memref<128xi32, #tpu.memory_space<vmem>> -> memref<128xi32, #tpu.memory_space<vmem>>
    %dma_wait3A_91 = arith.constant 0 : i32
    %dma_wait3A_92 = arith.constant 0 : i32
    %dma_wait3A_93 = tpu.memref_slice %arg3[%dma_wait3A_91, %dma_wait3A_92] : memref<1000000x128xf32, #tpu.memory_space<hbm>> -> memref<1000000x128xf32, #tpu.memory_space<hbm>>
    tpu.wait_indirect_dma semaphore(%arg8 : memref<!tpu.dma_semaphore, #tpu.memory_space<semaphore_mem>>) src(%dma_wait3A_93 : memref<1000000x128xf32, #tpu.memory_space<hbm>>) dst(%dma_wait3A_88 : memref<128x128xf32, #tpu.memory_space<vmem>>)
    "tpu.region"() ({
      %run_scoped3A = tpu.sem_alloc : memref<!tpu.dma_semaphore, #tpu.memory_space<semaphore_mem>>
      %dma_start3A_94 = arith.constant 0 : i32
      %dma_start3A_95 = tpu.memref_slice %arg4[%mul3A_2, %dma_start3A_94] : memref<4096x128xf32, #tpu.memory_space<hbm>> -> memref<128x128xf32, #tpu.memory_space<hbm>>
      %dma_start3A_96 = arith.constant 0 : i32
      %dma_start3A_97 = tpu.memref_slice %arg4[%mul3A_2, %dma_start3A_96] : memref<4096x128xf32, #tpu.memory_space<hbm>> -> memref<128x128xf32, #tpu.memory_space<hbm>>
      tpu.enqueue_dma source(%arg7 : memref<128x128xf32, #tpu.memory_space<vmem>>) target(%dma_start3A_97 : memref<128x128xf32, #tpu.memory_space<hbm>>) target_semaphore(%run_scoped3A : memref<!tpu.dma_semaphore, #tpu.memory_space<semaphore_mem>>)
      %dma_wait3A_98 = arith.constant 0 : i32
      %dma_wait3A_99 = tpu.memref_slice %arg4[%mul3A_2, %dma_wait3A_98] : memref<4096x128xf32, #tpu.memory_space<hbm>> -> memref<128x128xf32, #tpu.memory_space<hbm>>
      %dma_wait3A_100 = arith.constant 0 : i32
      %dma_wait3A_101 = tpu.memref_slice %arg4[%mul3A_2, %dma_wait3A_100] : memref<4096x128xf32, #tpu.memory_space<hbm>> -> memref<128x128xf32, #tpu.memory_space<hbm>>
      tpu.wait_dma2 semaphore(%run_scoped3A : memref<!tpu.dma_semaphore, #tpu.memory_space<semaphore_mem>>) src(%arg7 : memref<128x128xf32, #tpu.memory_space<vmem>>) dst(%dma_wait3A_101 : memref<128x128xf32, #tpu.memory_space<hbm>>)
      tpu.yield
    }) : () -> ()
    return
  }
}

module attributes {stable_mosaic.version = 14 : i64} {
  func.func @_approx_kernel(%arg0: i32, %arg1: memref<8x128xf32, #tpu.memory_space<vmem>>, %arg2: memref<16384x128xf32, #tpu.memory_space<vmem>>, %arg3: memref<1x8x10xi32, #tpu.memory_space<vmem>>, %arg4: memref<8x1024xf32, #tpu.memory_space<vmem>>, %arg5: memref<8x1024xi32, #tpu.memory_space<vmem>>) attributes {dimension_semantics = [#tpu.dimension_semantics<arbitrary>], iteration_bounds = array<i64: 62>, scalar_prefetch = 0 : i64, scratch_operands = 2 : i64, tpu.core_type = #tpu.core_type<tc>, window_params = [{pipeline_mode = #tpu.pipeline_mode<synchronous>, transform_indices = @transform_0, window_bounds = array<i64: 8, 128>}, {transform_indices = @transform_1, window_bounds = array<i64: 16384, 128>}, {transform_indices = @transform_2, window_bounds = array<i64: 1, 8, 10>}]} {
    %get3A = arith.constant 0 : index
    %get3A_0 = arith.constant 0 : index
    %get3A_1 = vector.load %arg1[%get3A, %get3A_0] : memref<8x128xf32, #tpu.memory_space<vmem>>, vector<8x128xf32>
    %mul3A = arith.mulf %get3A_1, %get3A_1 : vector<8x128xf32>
    %reduce_sum3A = arith.constant dense<0.000000e+00> : vector<8xf32>
    %reduce_sum3A_2 = vector.multi_reduction <add>, %mul3A, %reduce_sum3A [1] : vector<8x128xf32> to vector<8xf32>
    %broadcast_in_dim3A = vector.shape_cast %reduce_sum3A_2 : vector<8xf32> to vector<8x1xf32>
    %sqrt3A = math.sqrt %broadcast_in_dim3A : vector<8x1xf32>
    %max3A = arith.constant 9.99999993E-9 : f32
    %max3A_3 = vector.broadcast %max3A : f32 to vector<8x1xf32>
    %max3A_4 = arith.maximumf %sqrt3A, %max3A_3 : vector<8x1xf32>
    %div3A = vector.broadcast %max3A_4 : vector<8x1xf32> to vector<8x128xf32>
    %div3A_5 = arith.divf %get3A_1, %div3A : vector<8x128xf32>
    %get3A_6 = arith.constant 0 : index
    %get3A_7 = arith.constant 0 : index
    %get3A_8 = vector.load %arg2[%get3A_6, %get3A_7] : memref<16384x128xf32, #tpu.memory_space<vmem>>, vector<16384x128xf32>
    %dot_general3A = arith.constant dense<0.000000e+00> : vector<8x16384xf32>
    %dot_general3A_9 = tpu.matmul %div3A_5, %get3A_8, %dot_general3A {dimension_numbers = #tpu.dot_dimension_numbers<[1], [1], [0], [0], [0, 0, 1, 0], [], []>, transpose_lhs_hint = false} : vector<8x128xf32>, vector<16384x128xf32>, vector<8x16384xf32> -> vector<8x16384xf32>
    %broadcast_in_dim3A_10 = arith.constant 1.000000e+00 : f32
    %broadcast_in_dim3A_11 = vector.broadcast %broadcast_in_dim3A_10 : f32 to vector<8x128xf32>
    %mul3A_12 = arith.mulf %get3A_8, %get3A_8 : vector<16384x128xf32>
    %dot_general3A_13 = arith.constant dense<0.000000e+00> : vector<8x16384xf32>
    %dot_general3A_14 = tpu.matmul %broadcast_in_dim3A_11, %mul3A_12, %dot_general3A_13 {dimension_numbers = #tpu.dot_dimension_numbers<[1], [1], [0], [0], [0, 0, 1, 0], [], []>, transpose_lhs_hint = false} : vector<8x128xf32>, vector<16384x128xf32>, vector<8x16384xf32> -> vector<8x16384xf32>
    %rsqrt3A = math.rsqrt %dot_general3A_14 : vector<8x16384xf32>
    %mul3A_15 = arith.mulf %dot_general3A_9, %rsqrt3A : vector<8x16384xf32>
    %iota3A = tpu.iota {dimensions = array<i32: 1>} : vector<8x16384xi32>
    %mul3A_16 = arith.constant 16384 : i32
    %mul3A_17 = arith.muli %arg0, %mul3A_16 : i32
    %add3A = vector.broadcast %mul3A_17 : i32 to vector<8x16384xi32>
    %add3A_18 = arith.addi %add3A, %iota3A : vector<8x16384xi32>
    %lt3A = arith.constant 1000000 : i32
    %lt3A_19 = vector.broadcast %lt3A : i32 to vector<8x16384xi32>
    %lt3A_20 = arith.cmpi slt, %add3A_18, %lt3A_19 : vector<8x16384xi32>
    %jit3A = arith.constant 0xFF800000 : f32
    %broadcast_in_dim3A_21 = vector.broadcast %jit3A : f32 to vector<8x16384xf32>
    %select_n3A = arith.select %lt3A_20, %mul3A_15, %broadcast_in_dim3A_21 : vector<8x16384xi1>, vector<8x16384xf32>
    %slice3A = vector.extract_strided_slice %select_n3A {offsets = [0, 0], sizes = [8, 8192], strides = [1, 1]} : vector<8x16384xf32> to vector<8x8192xf32>
    %slice3A_22 = vector.extract_strided_slice %select_n3A {offsets = [0, 8192], sizes = [8, 8192], strides = [1, 1]} : vector<8x16384xf32> to vector<8x8192xf32>
    %slice3A_23 = vector.extract_strided_slice %add3A_18 {offsets = [0, 0], sizes = [8, 8192], strides = [1, 1]} : vector<8x16384xi32> to vector<8x8192xi32>
    %slice3A_24 = vector.extract_strided_slice %add3A_18 {offsets = [0, 8192], sizes = [8, 8192], strides = [1, 1]} : vector<8x16384xi32> to vector<8x8192xi32>
    %ge3A = arith.cmpf oge, %slice3A, %slice3A_22 : vector<8x8192xf32>
    %select_n3A_25 = arith.select %ge3A, %slice3A, %slice3A_22 : vector<8x8192xi1>, vector<8x8192xf32>
    %select_n3A_26 = arith.select %ge3A, %slice3A_23, %slice3A_24 : vector<8x8192xi1>, vector<8x8192xi32>
    %select_n3A_27 = arith.select %ge3A, %slice3A_22, %slice3A : vector<8x8192xi1>, vector<8x8192xf32>
    %select_n3A_28 = arith.select %ge3A, %slice3A_24, %slice3A_23 : vector<8x8192xi1>, vector<8x8192xi32>
    %slice3A_29 = vector.extract_strided_slice %select_n3A_25 {offsets = [0, 0], sizes = [8, 4096], strides = [1, 1]} : vector<8x8192xf32> to vector<8x4096xf32>
    %slice3A_30 = vector.extract_strided_slice %select_n3A_25 {offsets = [0, 4096], sizes = [8, 4096], strides = [1, 1]} : vector<8x8192xf32> to vector<8x4096xf32>
    %slice3A_31 = vector.extract_strided_slice %select_n3A_26 {offsets = [0, 0], sizes = [8, 4096], strides = [1, 1]} : vector<8x8192xi32> to vector<8x4096xi32>
    %slice3A_32 = vector.extract_strided_slice %select_n3A_26 {offsets = [0, 4096], sizes = [8, 4096], strides = [1, 1]} : vector<8x8192xi32> to vector<8x4096xi32>
    %slice3A_33 = vector.extract_strided_slice %select_n3A_27 {offsets = [0, 0], sizes = [8, 4096], strides = [1, 1]} : vector<8x8192xf32> to vector<8x4096xf32>
    %slice3A_34 = vector.extract_strided_slice %select_n3A_27 {offsets = [0, 4096], sizes = [8, 4096], strides = [1, 1]} : vector<8x8192xf32> to vector<8x4096xf32>
    %slice3A_35 = vector.extract_strided_slice %select_n3A_28 {offsets = [0, 0], sizes = [8, 4096], strides = [1, 1]} : vector<8x8192xi32> to vector<8x4096xi32>
    %slice3A_36 = vector.extract_strided_slice %select_n3A_28 {offsets = [0, 4096], sizes = [8, 4096], strides = [1, 1]} : vector<8x8192xi32> to vector<8x4096xi32>
    %ge3A_37 = arith.cmpf oge, %slice3A_29, %slice3A_30 : vector<8x4096xf32>
    %select_n3A_38 = arith.select %ge3A_37, %slice3A_29, %slice3A_30 : vector<8x4096xi1>, vector<8x4096xf32>
    %select_n3A_39 = arith.select %ge3A_37, %slice3A_31, %slice3A_32 : vector<8x4096xi1>, vector<8x4096xi32>
    %select_n3A_40 = arith.select %ge3A_37, %slice3A_30, %slice3A_29 : vector<8x4096xi1>, vector<8x4096xf32>
    %select_n3A_41 = arith.select %ge3A_37, %slice3A_32, %slice3A_31 : vector<8x4096xi1>, vector<8x4096xi32>
    %select_n3A_42 = arith.select %ge3A_37, %slice3A_33, %slice3A_34 : vector<8x4096xi1>, vector<8x4096xf32>
    %select_n3A_43 = arith.select %ge3A_37, %slice3A_35, %slice3A_36 : vector<8x4096xi1>, vector<8x4096xi32>
    %ge3A_44 = arith.cmpf oge, %select_n3A_40, %select_n3A_42 : vector<8x4096xf32>
    %select_n3A_45 = arith.select %ge3A_44, %select_n3A_40, %select_n3A_42 : vector<8x4096xi1>, vector<8x4096xf32>
    %select_n3A_46 = arith.select %ge3A_44, %select_n3A_41, %select_n3A_43 : vector<8x4096xi1>, vector<8x4096xi32>
    %slice3A_47 = vector.extract_strided_slice %select_n3A_38 {offsets = [0, 0], sizes = [8, 2048], strides = [1, 1]} : vector<8x4096xf32> to vector<8x2048xf32>
    %slice3A_48 = vector.extract_strided_slice %select_n3A_38 {offsets = [0, 2048], sizes = [8, 2048], strides = [1, 1]} : vector<8x4096xf32> to vector<8x2048xf32>
    %slice3A_49 = vector.extract_strided_slice %select_n3A_39 {offsets = [0, 0], sizes = [8, 2048], strides = [1, 1]} : vector<8x4096xi32> to vector<8x2048xi32>
    %slice3A_50 = vector.extract_strided_slice %select_n3A_39 {offsets = [0, 2048], sizes = [8, 2048], strides = [1, 1]} : vector<8x4096xi32> to vector<8x2048xi32>
    %slice3A_51 = vector.extract_strided_slice %select_n3A_45 {offsets = [0, 0], sizes = [8, 2048], strides = [1, 1]} : vector<8x4096xf32> to vector<8x2048xf32>
    %slice3A_52 = vector.extract_strided_slice %select_n3A_45 {offsets = [0, 2048], sizes = [8, 2048], strides = [1, 1]} : vector<8x4096xf32> to vector<8x2048xf32>
    %slice3A_53 = vector.extract_strided_slice %select_n3A_46 {offsets = [0, 0], sizes = [8, 2048], strides = [1, 1]} : vector<8x4096xi32> to vector<8x2048xi32>
    %slice3A_54 = vector.extract_strided_slice %select_n3A_46 {offsets = [0, 2048], sizes = [8, 2048], strides = [1, 1]} : vector<8x4096xi32> to vector<8x2048xi32>
    %ge3A_55 = arith.cmpf oge, %slice3A_47, %slice3A_48 : vector<8x2048xf32>
    %select_n3A_56 = arith.select %ge3A_55, %slice3A_47, %slice3A_48 : vector<8x2048xi1>, vector<8x2048xf32>
    %select_n3A_57 = arith.select %ge3A_55, %slice3A_49, %slice3A_50 : vector<8x2048xi1>, vector<8x2048xi32>
    %select_n3A_58 = arith.select %ge3A_55, %slice3A_48, %slice3A_47 : vector<8x2048xi1>, vector<8x2048xf32>
    %select_n3A_59 = arith.select %ge3A_55, %slice3A_50, %slice3A_49 : vector<8x2048xi1>, vector<8x2048xi32>
    %select_n3A_60 = arith.select %ge3A_55, %slice3A_51, %slice3A_52 : vector<8x2048xi1>, vector<8x2048xf32>
    %select_n3A_61 = arith.select %ge3A_55, %slice3A_53, %slice3A_54 : vector<8x2048xi1>, vector<8x2048xi32>
    %ge3A_62 = arith.cmpf oge, %select_n3A_58, %select_n3A_60 : vector<8x2048xf32>
    %select_n3A_63 = arith.select %ge3A_62, %select_n3A_58, %select_n3A_60 : vector<8x2048xi1>, vector<8x2048xf32>
    %select_n3A_64 = arith.select %ge3A_62, %select_n3A_59, %select_n3A_61 : vector<8x2048xi1>, vector<8x2048xi32>
    %slice3A_65 = vector.extract_strided_slice %select_n3A_56 {offsets = [0, 0], sizes = [8, 1024], strides = [1, 1]} : vector<8x2048xf32> to vector<8x1024xf32>
    %slice3A_66 = vector.extract_strided_slice %select_n3A_56 {offsets = [0, 1024], sizes = [8, 1024], strides = [1, 1]} : vector<8x2048xf32> to vector<8x1024xf32>
    %slice3A_67 = vector.extract_strided_slice %select_n3A_57 {offsets = [0, 0], sizes = [8, 1024], strides = [1, 1]} : vector<8x2048xi32> to vector<8x1024xi32>
    %slice3A_68 = vector.extract_strided_slice %select_n3A_57 {offsets = [0, 1024], sizes = [8, 1024], strides = [1, 1]} : vector<8x2048xi32> to vector<8x1024xi32>
    %slice3A_69 = vector.extract_strided_slice %select_n3A_63 {offsets = [0, 0], sizes = [8, 1024], strides = [1, 1]} : vector<8x2048xf32> to vector<8x1024xf32>
    %slice3A_70 = vector.extract_strided_slice %select_n3A_63 {offsets = [0, 1024], sizes = [8, 1024], strides = [1, 1]} : vector<8x2048xf32> to vector<8x1024xf32>
    %slice3A_71 = vector.extract_strided_slice %select_n3A_64 {offsets = [0, 0], sizes = [8, 1024], strides = [1, 1]} : vector<8x2048xi32> to vector<8x1024xi32>
    %slice3A_72 = vector.extract_strided_slice %select_n3A_64 {offsets = [0, 1024], sizes = [8, 1024], strides = [1, 1]} : vector<8x2048xi32> to vector<8x1024xi32>
    %ge3A_73 = arith.cmpf oge, %slice3A_65, %slice3A_66 : vector<8x1024xf32>
    %select_n3A_74 = arith.select %ge3A_73, %slice3A_65, %slice3A_66 : vector<8x1024xi1>, vector<8x1024xf32>
    %select_n3A_75 = arith.select %ge3A_73, %slice3A_67, %slice3A_68 : vector<8x1024xi1>, vector<8x1024xi32>
    %select_n3A_76 = arith.select %ge3A_73, %slice3A_66, %slice3A_65 : vector<8x1024xi1>, vector<8x1024xf32>
    %select_n3A_77 = arith.select %ge3A_73, %slice3A_68, %slice3A_67 : vector<8x1024xi1>, vector<8x1024xi32>
    %select_n3A_78 = arith.select %ge3A_73, %slice3A_69, %slice3A_70 : vector<8x1024xi1>, vector<8x1024xf32>
    %select_n3A_79 = arith.select %ge3A_73, %slice3A_71, %slice3A_72 : vector<8x1024xi1>, vector<8x1024xi32>
    %ge3A_80 = arith.cmpf oge, %select_n3A_76, %select_n3A_78 : vector<8x1024xf32>
    %select_n3A_81 = arith.select %ge3A_80, %select_n3A_76, %select_n3A_78 : vector<8x1024xi1>, vector<8x1024xf32>
    %select_n3A_82 = arith.select %ge3A_80, %select_n3A_77, %select_n3A_79 : vector<8x1024xi1>, vector<8x1024xi32>
    %slice3A_83 = vector.extract_strided_slice %select_n3A_74 {offsets = [0, 0], sizes = [8, 512], strides = [1, 1]} : vector<8x1024xf32> to vector<8x512xf32>
    %slice3A_84 = vector.extract_strided_slice %select_n3A_74 {offsets = [0, 512], sizes = [8, 512], strides = [1, 1]} : vector<8x1024xf32> to vector<8x512xf32>
    %slice3A_85 = vector.extract_strided_slice %select_n3A_75 {offsets = [0, 0], sizes = [8, 512], strides = [1, 1]} : vector<8x1024xi32> to vector<8x512xi32>
    %slice3A_86 = vector.extract_strided_slice %select_n3A_75 {offsets = [0, 512], sizes = [8, 512], strides = [1, 1]} : vector<8x1024xi32> to vector<8x512xi32>
    %slice3A_87 = vector.extract_strided_slice %select_n3A_81 {offsets = [0, 0], sizes = [8, 512], strides = [1, 1]} : vector<8x1024xf32> to vector<8x512xf32>
    %slice3A_88 = vector.extract_strided_slice %select_n3A_81 {offsets = [0, 512], sizes = [8, 512], strides = [1, 1]} : vector<8x1024xf32> to vector<8x512xf32>
    %slice3A_89 = vector.extract_strided_slice %select_n3A_82 {offsets = [0, 0], sizes = [8, 512], strides = [1, 1]} : vector<8x1024xi32> to vector<8x512xi32>
    %slice3A_90 = vector.extract_strided_slice %select_n3A_82 {offsets = [0, 512], sizes = [8, 512], strides = [1, 1]} : vector<8x1024xi32> to vector<8x512xi32>
    %ge3A_91 = arith.cmpf oge, %slice3A_83, %slice3A_84 : vector<8x512xf32>
    %select_n3A_92 = arith.select %ge3A_91, %slice3A_83, %slice3A_84 : vector<8x512xi1>, vector<8x512xf32>
    %select_n3A_93 = arith.select %ge3A_91, %slice3A_85, %slice3A_86 : vector<8x512xi1>, vector<8x512xi32>
    %select_n3A_94 = arith.select %ge3A_91, %slice3A_84, %slice3A_83 : vector<8x512xi1>, vector<8x512xf32>
    %select_n3A_95 = arith.select %ge3A_91, %slice3A_86, %slice3A_85 : vector<8x512xi1>, vector<8x512xi32>
    %select_n3A_96 = arith.select %ge3A_91, %slice3A_87, %slice3A_88 : vector<8x512xi1>, vector<8x512xf32>
    %select_n3A_97 = arith.select %ge3A_91, %slice3A_89, %slice3A_90 : vector<8x512xi1>, vector<8x512xi32>
    %ge3A_98 = arith.cmpf oge, %select_n3A_94, %select_n3A_96 : vector<8x512xf32>
    %select_n3A_99 = arith.select %ge3A_98, %select_n3A_94, %select_n3A_96 : vector<8x512xi1>, vector<8x512xf32>
    %select_n3A_100 = arith.select %ge3A_98, %select_n3A_95, %select_n3A_97 : vector<8x512xi1>, vector<8x512xi32>
    %concatenate3A = tpu.concatenate %select_n3A_92, %select_n3A_99 in 1 : vector<8x512xf32>, vector<8x512xf32> -> vector<8x1024xf32>
    %concatenate3A_101 = tpu.concatenate %select_n3A_93, %select_n3A_100 in 1 : vector<8x512xi32>, vector<8x512xi32> -> vector<8x1024xi32>
    %jit3A_102 = arith.constant 2 : i32
    %eq3A = arith.constant 0 : i32
    %eq3A_103 = arith.cmpi eq, %jit3A_102, %eq3A : i32
    %jit3A_104 = arith.constant 1 : i32
    %select_n3A_105 = arith.select %eq3A_103, %jit3A_104, %jit3A_102 : i32
    %rem3A = arith.remsi %arg0, %select_n3A_105 : i32
    %ne3A = arith.constant 0 : i32
    %ne3A_106 = arith.cmpi ne, %rem3A, %ne3A : i32
    %lt3A_107 = arith.constant 0 : i32
    %lt3A_108 = arith.cmpi slt, %rem3A, %lt3A_107 : i32
    %lt3A_109 = arith.constant 0 : i32
    %lt3A_110 = arith.cmpi slt, %select_n3A_105, %lt3A_109 : i32
    %ne3A_111 = arith.xori %lt3A_108, %lt3A_110 : i1
    %and3A = arith.andi %ne3A_111, %ne3A_106 : i1
    %add3A_112 = arith.addi %rem3A, %select_n3A_105 : i32
    %select_n3A_113 = arith.select %and3A, %add3A_112, %rem3A : i32
    %eq3A_114 = arith.constant 0 : i32
    %eq3A_115 = arith.cmpi eq, %select_n3A_113, %eq3A_114 : i32
    %convert_element_type3A = arith.extui %eq3A_115 : i1 to i32
    %cond3A = arith.constant 0 : i32
    %cond3A_116 = arith.cmpi ne, %convert_element_type3A, %cond3A : i32
    scf.if %cond3A_116 {
      %swap3A = arith.constant 0 : index
      %swap3A_140 = arith.constant 0 : index
      %swap3A_141 = vector.load %arg4[%swap3A, %swap3A_140] : memref<8x1024xf32, #tpu.memory_space<vmem>>, vector<8x1024xf32>
      tpu.vector_store %arg4[%swap3A, %swap3A_140], %concatenate3A {strides = array<i32>} : memref<8x1024xf32, #tpu.memory_space<vmem>>, vector<8x1024xf32>,
      %swap3A_142 = arith.constant 0 : index
      %swap3A_143 = arith.constant 0 : index
      %swap3A_144 = vector.load %arg5[%swap3A_142, %swap3A_143] : memref<8x1024xi32, #tpu.memory_space<vmem>>, vector<8x1024xi32>
      tpu.vector_store %arg5[%swap3A_142, %swap3A_143], %concatenate3A_101 {strides = array<i32>} : memref<8x1024xi32, #tpu.memory_space<vmem>>, vector<8x1024xi32>,
    } else {
    }
    %jit3A_117 = arith.constant 2 : i32
    %eq3A_118 = arith.constant 0 : i32
    %eq3A_119 = arith.cmpi eq, %jit3A_117, %eq3A_118 : i32
    %jit3A_120 = arith.constant 1 : i32
    %select_n3A_121 = arith.select %eq3A_119, %jit3A_120, %jit3A_117 : i32
    %rem3A_122 = arith.remsi %arg0, %select_n3A_121 : i32
    %ne3A_123 = arith.constant 0 : i32
    %ne3A_124 = arith.cmpi ne, %rem3A_122, %ne3A_123 : i32
    %lt3A_125 = arith.constant 0 : i32
    %lt3A_126 = arith.cmpi slt, %rem3A_122, %lt3A_125 : i32
    %lt3A_127 = arith.constant 0 : i32
    %lt3A_128 = arith.cmpi slt, %select_n3A_121, %lt3A_127 : i32
    %ne3A_129 = arith.xori %lt3A_126, %lt3A_128 : i1
    %and3A_130 = arith.andi %ne3A_129, %ne3A_124 : i1
    %add3A_131 = arith.addi %rem3A_122, %select_n3A_121 : i32
    %select_n3A_132 = arith.select %and3A_130, %add3A_131, %rem3A_122 : i32
    %eq3A_133 = arith.constant 1 : i32
    %eq3A_134 = arith.cmpi eq, %select_n3A_132, %eq3A_133 : i32
    %eq3A_135 = arith.constant 61 : i32
    %eq3A_136 = arith.cmpi eq, %arg0, %eq3A_135 : i32
    %or3A = arith.ori %eq3A_134, %eq3A_136 : i1
    %convert_element_type3A_137 = arith.extui %or3A : i1 to i32
    %cond3A_138 = arith.constant 0 : i32
    %cond3A_139 = arith.cmpi ne, %convert_element_type3A_137, %cond3A_138 : i32
    scf.if %cond3A_139 {
      %get3A_140 = arith.constant 0 : index
      %get3A_141 = arith.constant 0 : index
      %get3A_142 = vector.load %arg4[%get3A_140, %get3A_141] : memref<8x1024xf32, #tpu.memory_space<vmem>>, vector<8x1024xf32>
      %concatenate3A_143 = tpu.concatenate %get3A_142, %concatenate3A in 1 : vector<8x1024xf32>, vector<8x1024xf32> -> vector<8x2048xf32>
      %get3A_144 = arith.constant 0 : index
      %get3A_145 = arith.constant 0 : index
      %get3A_146 = vector.load %arg5[%get3A_144, %get3A_145] : memref<8x1024xi32, #tpu.memory_space<vmem>>, vector<8x1024xi32>
      %concatenate3A_147 = tpu.concatenate %get3A_146, %concatenate3A_101 in 1 : vector<8x1024xi32>, vector<8x1024xi32> -> vector<8x2048xi32>
      %broadcast_in_dim3A_148 = arith.constant 2147483647 : i32
      %broadcast_in_dim3A_149 = vector.broadcast %broadcast_in_dim3A_148 : i32 to vector<8x128xi32>
      %iota3A_150 = tpu.iota {dimensions = array<i32: 1>} : vector<8x128xi32>
      %reduce_max3A = arith.constant dense<0xFF800000> : vector<8xf32>
      %reduce_max3A_151 = vector.multi_reduction <maximumf>, %concatenate3A_143, %reduce_max3A [1] : vector<8x2048xf32> to vector<8xf32>
      %broadcast_in_dim3A_152 = vector.shape_cast %reduce_max3A_151 : vector<8xf32> to vector<8x1xf32>
      %eq3A_153 = vector.broadcast %broadcast_in_dim3A_152 : vector<8x1xf32> to vector<8x2048xf32>
      %eq3A_154 = arith.cmpf oeq, %concatenate3A_143, %eq3A_153 : vector<8x2048xf32>
      %jit3A_155 = arith.constant 2147483647 : i32
      %broadcast_in_dim3A_156 = vector.broadcast %jit3A_155 : i32 to vector<8x2048xi32>
      %select_n3A_157 = arith.select %eq3A_154, %concatenate3A_147, %broadcast_in_dim3A_156 : vector<8x2048xi1>, vector<8x2048xi32>
      %reduce_min3A = arith.constant dense<2147483647> : vector<8xi32>
      %reduce_min3A_158 = vector.multi_reduction <minsi>, %select_n3A_157, %reduce_min3A [1] : vector<8x2048xi32> to vector<8xi32>
      %broadcast_in_dim3A_159 = vector.shape_cast %reduce_min3A_158 : vector<8xi32> to vector<8x1xi32>
      %eq3A_160 = vector.broadcast %broadcast_in_dim3A_159 : vector<8x1xi32> to vector<8x2048xi32>
      %eq3A_161 = arith.cmpi eq, %concatenate3A_147, %eq3A_160 : vector<8x2048xi32>
      %jit3A_162 = arith.constant 0xFF800000 : f32
      %broadcast_in_dim3A_163 = vector.broadcast %jit3A_162 : f32 to vector<8x2048xf32>
      %select_n3A_164 = arith.select %eq3A_161, %broadcast_in_dim3A_163, %concatenate3A_143 : vector<8x2048xi1>, vector<8x2048xf32>
      %eq3A_165 = arith.constant 0 : i32
      %eq3A_166 = vector.broadcast %eq3A_165 : i32 to vector<8x128xi32>
      %eq3A_167 = arith.cmpi eq, %iota3A_150, %eq3A_166 : vector<8x128xi32>
      %broadcast_in_dim3A_168 = vector.shape_cast %broadcast_in_dim3A_159 : vector<8x1xi32> to vector<8x1xi32>
      %broadcast_in_dim3A_169 = vector.broadcast %broadcast_in_dim3A_168 : vector<8x1xi32> to vector<8x128xi32>
      %select_n3A_170 = arith.select %eq3A_167, %broadcast_in_dim3A_169, %broadcast_in_dim3A_149 : vector<8x128xi1>, vector<8x128xi32>
      %reduce_max3A_171 = arith.constant dense<0xFF800000> : vector<8xf32>
      %reduce_max3A_172 = vector.multi_reduction <maximumf>, %select_n3A_164, %reduce_max3A_171 [1] : vector<8x2048xf32> to vector<8xf32>
      %broadcast_in_dim3A_173 = vector.shape_cast %reduce_max3A_172 : vector<8xf32> to vector<8x1xf32>
      %eq3A_174 = vector.broadcast %broadcast_in_dim3A_173 : vector<8x1xf32> to vector<8x2048xf32>
      %eq3A_175 = arith.cmpf oeq, %select_n3A_164, %eq3A_174 : vector<8x2048xf32>
      %jit3A_176 = arith.constant 2147483647 : i32
      %broadcast_in_dim3A_177 = vector.broadcast %jit3A_176 : i32 to vector<8x2048xi32>
      %select_n3A_178 = arith.select %eq3A_175, %concatenate3A_147, %broadcast_in_dim3A_177 : vector<8x2048xi1>, vector<8x2048xi32>
      %reduce_min3A_179 = arith.constant dense<2147483647> : vector<8xi32>
      %reduce_min3A_180 = vector.multi_reduction <minsi>, %select_n3A_178, %reduce_min3A_179 [1] : vector<8x2048xi32> to vector<8xi32>
      %broadcast_in_dim3A_181 = vector.shape_cast %reduce_min3A_180 : vector<8xi32> to vector<8x1xi32>
      %eq3A_182 = vector.broadcast %broadcast_in_dim3A_181 : vector<8x1xi32> to vector<8x2048xi32>
      %eq3A_183 = arith.cmpi eq, %concatenate3A_147, %eq3A_182 : vector<8x2048xi32>
      %jit3A_184 = arith.constant 0xFF800000 : f32
      %broadcast_in_dim3A_185 = vector.broadcast %jit3A_184 : f32 to vector<8x2048xf32>
      %select_n3A_186 = arith.select %eq3A_183, %broadcast_in_dim3A_185, %select_n3A_164 : vector<8x2048xi1>, vector<8x2048xf32>
      %eq3A_187 = arith.constant 1 : i32
      %eq3A_188 = vector.broadcast %eq3A_187 : i32 to vector<8x128xi32>
      %eq3A_189 = arith.cmpi eq, %iota3A_150, %eq3A_188 : vector<8x128xi32>
      %broadcast_in_dim3A_190 = vector.shape_cast %broadcast_in_dim3A_181 : vector<8x1xi32> to vector<8x1xi32>
      %broadcast_in_dim3A_191 = vector.broadcast %broadcast_in_dim3A_190 : vector<8x1xi32> to vector<8x128xi32>
      %select_n3A_192 = arith.select %eq3A_189, %broadcast_in_dim3A_191, %select_n3A_170 : vector<8x128xi1>, vector<8x128xi32>
      %reduce_max3A_193 = arith.constant dense<0xFF800000> : vector<8xf32>
      %reduce_max3A_194 = vector.multi_reduction <maximumf>, %select_n3A_186, %reduce_max3A_193 [1] : vector<8x2048xf32> to vector<8xf32>
      %broadcast_in_dim3A_195 = vector.shape_cast %reduce_max3A_194 : vector<8xf32> to vector<8x1xf32>
      %eq3A_196 = vector.broadcast %broadcast_in_dim3A_195 : vector<8x1xf32> to vector<8x2048xf32>
      %eq3A_197 = arith.cmpf oeq, %select_n3A_186, %eq3A_196 : vector<8x2048xf32>
      %jit3A_198 = arith.constant 2147483647 : i32
      %broadcast_in_dim3A_199 = vector.broadcast %jit3A_198 : i32 to vector<8x2048xi32>
      %select_n3A_200 = arith.select %eq3A_197, %concatenate3A_147, %broadcast_in_dim3A_199 : vector<8x2048xi1>, vector<8x2048xi32>
      %reduce_min3A_201 = arith.constant dense<2147483647> : vector<8xi32>
      %reduce_min3A_202 = vector.multi_reduction <minsi>, %select_n3A_200, %reduce_min3A_201 [1] : vector<8x2048xi32> to vector<8xi32>
      %broadcast_in_dim3A_203 = vector.shape_cast %reduce_min3A_202 : vector<8xi32> to vector<8x1xi32>
      %eq3A_204 = vector.broadcast %broadcast_in_dim3A_203 : vector<8x1xi32> to vector<8x2048xi32>
      %eq3A_205 = arith.cmpi eq, %concatenate3A_147, %eq3A_204 : vector<8x2048xi32>
      %jit3A_206 = arith.constant 0xFF800000 : f32
      %broadcast_in_dim3A_207 = vector.broadcast %jit3A_206 : f32 to vector<8x2048xf32>
      %select_n3A_208 = arith.select %eq3A_205, %broadcast_in_dim3A_207, %select_n3A_186 : vector<8x2048xi1>, vector<8x2048xf32>
      %eq3A_209 = arith.constant 2 : i32
      %eq3A_210 = vector.broadcast %eq3A_209 : i32 to vector<8x128xi32>
      %eq3A_211 = arith.cmpi eq, %iota3A_150, %eq3A_210 : vector<8x128xi32>
      %broadcast_in_dim3A_212 = vector.shape_cast %broadcast_in_dim3A_203 : vector<8x1xi32> to vector<8x1xi32>
      %broadcast_in_dim3A_213 = vector.broadcast %broadcast_in_dim3A_212 : vector<8x1xi32> to vector<8x128xi32>
      %select_n3A_214 = arith.select %eq3A_211, %broadcast_in_dim3A_213, %select_n3A_192 : vector<8x128xi1>, vector<8x128xi32>
      %reduce_max3A_215 = arith.constant dense<0xFF800000> : vector<8xf32>
      %reduce_max3A_216 = vector.multi_reduction <maximumf>, %select_n3A_208, %reduce_max3A_215 [1] : vector<8x2048xf32> to vector<8xf32>
      %broadcast_in_dim3A_217 = vector.shape_cast %reduce_max3A_216 : vector<8xf32> to vector<8x1xf32>
      %eq3A_218 = vector.broadcast %broadcast_in_dim3A_217 : vector<8x1xf32> to vector<8x2048xf32>
      %eq3A_219 = arith.cmpf oeq, %select_n3A_208, %eq3A_218 : vector<8x2048xf32>
      %jit3A_220 = arith.constant 2147483647 : i32
      %broadcast_in_dim3A_221 = vector.broadcast %jit3A_220 : i32 to vector<8x2048xi32>
      %select_n3A_222 = arith.select %eq3A_219, %concatenate3A_147, %broadcast_in_dim3A_221 : vector<8x2048xi1>, vector<8x2048xi32>
      %reduce_min3A_223 = arith.constant dense<2147483647> : vector<8xi32>
      %reduce_min3A_224 = vector.multi_reduction <minsi>, %select_n3A_222, %reduce_min3A_223 [1] : vector<8x2048xi32> to vector<8xi32>
      %broadcast_in_dim3A_225 = vector.shape_cast %reduce_min3A_224 : vector<8xi32> to vector<8x1xi32>
      %eq3A_226 = vector.broadcast %broadcast_in_dim3A_225 : vector<8x1xi32> to vector<8x2048xi32>
      %eq3A_227 = arith.cmpi eq, %concatenate3A_147, %eq3A_226 : vector<8x2048xi32>
      %jit3A_228 = arith.constant 0xFF800000 : f32
      %broadcast_in_dim3A_229 = vector.broadcast %jit3A_228 : f32 to vector<8x2048xf32>
      %select_n3A_230 = arith.select %eq3A_227, %broadcast_in_dim3A_229, %select_n3A_208 : vector<8x2048xi1>, vector<8x2048xf32>
      %eq3A_231 = arith.constant 3 : i32
      %eq3A_232 = vector.broadcast %eq3A_231 : i32 to vector<8x128xi32>
      %eq3A_233 = arith.cmpi eq, %iota3A_150, %eq3A_232 : vector<8x128xi32>
      %broadcast_in_dim3A_234 = vector.shape_cast %broadcast_in_dim3A_225 : vector<8x1xi32> to vector<8x1xi32>
      %broadcast_in_dim3A_235 = vector.broadcast %broadcast_in_dim3A_234 : vector<8x1xi32> to vector<8x128xi32>
      %select_n3A_236 = arith.select %eq3A_233, %broadcast_in_dim3A_235, %select_n3A_214 : vector<8x128xi1>, vector<8x128xi32>
      %reduce_max3A_237 = arith.constant dense<0xFF800000> : vector<8xf32>
      %reduce_max3A_238 = vector.multi_reduction <maximumf>, %select_n3A_230, %reduce_max3A_237 [1] : vector<8x2048xf32> to vector<8xf32>
      %broadcast_in_dim3A_239 = vector.shape_cast %reduce_max3A_238 : vector<8xf32> to vector<8x1xf32>
      %eq3A_240 = vector.broadcast %broadcast_in_dim3A_239 : vector<8x1xf32> to vector<8x2048xf32>
      %eq3A_241 = arith.cmpf oeq, %select_n3A_230, %eq3A_240 : vector<8x2048xf32>
      %jit3A_242 = arith.constant 2147483647 : i32
      %broadcast_in_dim3A_243 = vector.broadcast %jit3A_242 : i32 to vector<8x2048xi32>
      %select_n3A_244 = arith.select %eq3A_241, %concatenate3A_147, %broadcast_in_dim3A_243 : vector<8x2048xi1>, vector<8x2048xi32>
      %reduce_min3A_245 = arith.constant dense<2147483647> : vector<8xi32>
      %reduce_min3A_246 = vector.multi_reduction <minsi>, %select_n3A_244, %reduce_min3A_245 [1] : vector<8x2048xi32> to vector<8xi32>
      %broadcast_in_dim3A_247 = vector.shape_cast %reduce_min3A_246 : vector<8xi32> to vector<8x1xi32>
      %eq3A_248 = vector.broadcast %broadcast_in_dim3A_247 : vector<8x1xi32> to vector<8x2048xi32>
      %eq3A_249 = arith.cmpi eq, %concatenate3A_147, %eq3A_248 : vector<8x2048xi32>
      %jit3A_250 = arith.constant 0xFF800000 : f32
      %broadcast_in_dim3A_251 = vector.broadcast %jit3A_250 : f32 to vector<8x2048xf32>
      %select_n3A_252 = arith.select %eq3A_249, %broadcast_in_dim3A_251, %select_n3A_230 : vector<8x2048xi1>, vector<8x2048xf32>
      %eq3A_253 = arith.constant 4 : i32
      %eq3A_254 = vector.broadcast %eq3A_253 : i32 to vector<8x128xi32>
      %eq3A_255 = arith.cmpi eq, %iota3A_150, %eq3A_254 : vector<8x128xi32>
      %broadcast_in_dim3A_256 = vector.shape_cast %broadcast_in_dim3A_247 : vector<8x1xi32> to vector<8x1xi32>
      %broadcast_in_dim3A_257 = vector.broadcast %broadcast_in_dim3A_256 : vector<8x1xi32> to vector<8x128xi32>
      %select_n3A_258 = arith.select %eq3A_255, %broadcast_in_dim3A_257, %select_n3A_236 : vector<8x128xi1>, vector<8x128xi32>
      %reduce_max3A_259 = arith.constant dense<0xFF800000> : vector<8xf32>
      %reduce_max3A_260 = vector.multi_reduction <maximumf>, %select_n3A_252, %reduce_max3A_259 [1] : vector<8x2048xf32> to vector<8xf32>
      %broadcast_in_dim3A_261 = vector.shape_cast %reduce_max3A_260 : vector<8xf32> to vector<8x1xf32>
      %eq3A_262 = vector.broadcast %broadcast_in_dim3A_261 : vector<8x1xf32> to vector<8x2048xf32>
      %eq3A_263 = arith.cmpf oeq, %select_n3A_252, %eq3A_262 : vector<8x2048xf32>
      %jit3A_264 = arith.constant 2147483647 : i32
      %broadcast_in_dim3A_265 = vector.broadcast %jit3A_264 : i32 to vector<8x2048xi32>
      %select_n3A_266 = arith.select %eq3A_263, %concatenate3A_147, %broadcast_in_dim3A_265 : vector<8x2048xi1>, vector<8x2048xi32>
      %reduce_min3A_267 = arith.constant dense<2147483647> : vector<8xi32>
      %reduce_min3A_268 = vector.multi_reduction <minsi>, %select_n3A_266, %reduce_min3A_267 [1] : vector<8x2048xi32> to vector<8xi32>
      %broadcast_in_dim3A_269 = vector.shape_cast %reduce_min3A_268 : vector<8xi32> to vector<8x1xi32>
      %eq3A_270 = vector.broadcast %broadcast_in_dim3A_269 : vector<8x1xi32> to vector<8x2048xi32>
      %eq3A_271 = arith.cmpi eq, %concatenate3A_147, %eq3A_270 : vector<8x2048xi32>
      %jit3A_272 = arith.constant 0xFF800000 : f32
      %broadcast_in_dim3A_273 = vector.broadcast %jit3A_272 : f32 to vector<8x2048xf32>
      %select_n3A_274 = arith.select %eq3A_271, %broadcast_in_dim3A_273, %select_n3A_252 : vector<8x2048xi1>, vector<8x2048xf32>
      %eq3A_275 = arith.constant 5 : i32
      %eq3A_276 = vector.broadcast %eq3A_275 : i32 to vector<8x128xi32>
      %eq3A_277 = arith.cmpi eq, %iota3A_150, %eq3A_276 : vector<8x128xi32>
      %broadcast_in_dim3A_278 = vector.shape_cast %broadcast_in_dim3A_269 : vector<8x1xi32> to vector<8x1xi32>
      %broadcast_in_dim3A_279 = vector.broadcast %broadcast_in_dim3A_278 : vector<8x1xi32> to vector<8x128xi32>
      %select_n3A_280 = arith.select %eq3A_277, %broadcast_in_dim3A_279, %select_n3A_258 : vector<8x128xi1>, vector<8x128xi32>
      %reduce_max3A_281 = arith.constant dense<0xFF800000> : vector<8xf32>
      %reduce_max3A_282 = vector.multi_reduction <maximumf>, %select_n3A_274, %reduce_max3A_281 [1] : vector<8x2048xf32> to vector<8xf32>
      %broadcast_in_dim3A_283 = vector.shape_cast %reduce_max3A_282 : vector<8xf32> to vector<8x1xf32>
      %eq3A_284 = vector.broadcast %broadcast_in_dim3A_283 : vector<8x1xf32> to vector<8x2048xf32>
      %eq3A_285 = arith.cmpf oeq, %select_n3A_274, %eq3A_284 : vector<8x2048xf32>
      %jit3A_286 = arith.constant 2147483647 : i32
      %broadcast_in_dim3A_287 = vector.broadcast %jit3A_286 : i32 to vector<8x2048xi32>
      %select_n3A_288 = arith.select %eq3A_285, %concatenate3A_147, %broadcast_in_dim3A_287 : vector<8x2048xi1>, vector<8x2048xi32>
      %reduce_min3A_289 = arith.constant dense<2147483647> : vector<8xi32>
      %reduce_min3A_290 = vector.multi_reduction <minsi>, %select_n3A_288, %reduce_min3A_289 [1] : vector<8x2048xi32> to vector<8xi32>
      %broadcast_in_dim3A_291 = vector.shape_cast %reduce_min3A_290 : vector<8xi32> to vector<8x1xi32>
      %eq3A_292 = vector.broadcast %broadcast_in_dim3A_291 : vector<8x1xi32> to vector<8x2048xi32>
      %eq3A_293 = arith.cmpi eq, %concatenate3A_147, %eq3A_292 : vector<8x2048xi32>
      %jit3A_294 = arith.constant 0xFF800000 : f32
      %broadcast_in_dim3A_295 = vector.broadcast %jit3A_294 : f32 to vector<8x2048xf32>
      %select_n3A_296 = arith.select %eq3A_293, %broadcast_in_dim3A_295, %select_n3A_274 : vector<8x2048xi1>, vector<8x2048xf32>
      %eq3A_297 = arith.constant 6 : i32
      %eq3A_298 = vector.broadcast %eq3A_297 : i32 to vector<8x128xi32>
      %eq3A_299 = arith.cmpi eq, %iota3A_150, %eq3A_298 : vector<8x128xi32>
      %broadcast_in_dim3A_300 = vector.shape_cast %broadcast_in_dim3A_291 : vector<8x1xi32> to vector<8x1xi32>
      %broadcast_in_dim3A_301 = vector.broadcast %broadcast_in_dim3A_300 : vector<8x1xi32> to vector<8x128xi32>
      %select_n3A_302 = arith.select %eq3A_299, %broadcast_in_dim3A_301, %select_n3A_280 : vector<8x128xi1>, vector<8x128xi32>
      %reduce_max3A_303 = arith.constant dense<0xFF800000> : vector<8xf32>
      %reduce_max3A_304 = vector.multi_reduction <maximumf>, %select_n3A_296, %reduce_max3A_303 [1] : vector<8x2048xf32> to vector<8xf32>
      %broadcast_in_dim3A_305 = vector.shape_cast %reduce_max3A_304 : vector<8xf32> to vector<8x1xf32>
      %eq3A_306 = vector.broadcast %broadcast_in_dim3A_305 : vector<8x1xf32> to vector<8x2048xf32>
      %eq3A_307 = arith.cmpf oeq, %select_n3A_296, %eq3A_306 : vector<8x2048xf32>
      %jit3A_308 = arith.constant 2147483647 : i32
      %broadcast_in_dim3A_309 = vector.broadcast %jit3A_308 : i32 to vector<8x2048xi32>
      %select_n3A_310 = arith.select %eq3A_307, %concatenate3A_147, %broadcast_in_dim3A_309 : vector<8x2048xi1>, vector<8x2048xi32>
      %reduce_min3A_311 = arith.constant dense<2147483647> : vector<8xi32>
      %reduce_min3A_312 = vector.multi_reduction <minsi>, %select_n3A_310, %reduce_min3A_311 [1] : vector<8x2048xi32> to vector<8xi32>
      %broadcast_in_dim3A_313 = vector.shape_cast %reduce_min3A_312 : vector<8xi32> to vector<8x1xi32>
      %eq3A_314 = vector.broadcast %broadcast_in_dim3A_313 : vector<8x1xi32> to vector<8x2048xi32>
      %eq3A_315 = arith.cmpi eq, %concatenate3A_147, %eq3A_314 : vector<8x2048xi32>
      %jit3A_316 = arith.constant 0xFF800000 : f32
      %broadcast_in_dim3A_317 = vector.broadcast %jit3A_316 : f32 to vector<8x2048xf32>
      %select_n3A_318 = arith.select %eq3A_315, %broadcast_in_dim3A_317, %select_n3A_296 : vector<8x2048xi1>, vector<8x2048xf32>
      %eq3A_319 = arith.constant 7 : i32
      %eq3A_320 = vector.broadcast %eq3A_319 : i32 to vector<8x128xi32>
      %eq3A_321 = arith.cmpi eq, %iota3A_150, %eq3A_320 : vector<8x128xi32>
      %broadcast_in_dim3A_322 = vector.shape_cast %broadcast_in_dim3A_313 : vector<8x1xi32> to vector<8x1xi32>
      %broadcast_in_dim3A_323 = vector.broadcast %broadcast_in_dim3A_322 : vector<8x1xi32> to vector<8x128xi32>
      %select_n3A_324 = arith.select %eq3A_321, %broadcast_in_dim3A_323, %select_n3A_302 : vector<8x128xi1>, vector<8x128xi32>
      %reduce_max3A_325 = arith.constant dense<0xFF800000> : vector<8xf32>
      %reduce_max3A_326 = vector.multi_reduction <maximumf>, %select_n3A_318, %reduce_max3A_325 [1] : vector<8x2048xf32> to vector<8xf32>
      %broadcast_in_dim3A_327 = vector.shape_cast %reduce_max3A_326 : vector<8xf32> to vector<8x1xf32>
      %eq3A_328 = vector.broadcast %broadcast_in_dim3A_327 : vector<8x1xf32> to vector<8x2048xf32>
      %eq3A_329 = arith.cmpf oeq, %select_n3A_318, %eq3A_328 : vector<8x2048xf32>
      %jit3A_330 = arith.constant 2147483647 : i32
      %broadcast_in_dim3A_331 = vector.broadcast %jit3A_330 : i32 to vector<8x2048xi32>
      %select_n3A_332 = arith.select %eq3A_329, %concatenate3A_147, %broadcast_in_dim3A_331 : vector<8x2048xi1>, vector<8x2048xi32>
      %reduce_min3A_333 = arith.constant dense<2147483647> : vector<8xi32>
      %reduce_min3A_334 = vector.multi_reduction <minsi>, %select_n3A_332, %reduce_min3A_333 [1] : vector<8x2048xi32> to vector<8xi32>
      %broadcast_in_dim3A_335 = vector.shape_cast %reduce_min3A_334 : vector<8xi32> to vector<8x1xi32>
      %eq3A_336 = vector.broadcast %broadcast_in_dim3A_335 : vector<8x1xi32> to vector<8x2048xi32>
      %eq3A_337 = arith.cmpi eq, %concatenate3A_147, %eq3A_336 : vector<8x2048xi32>
      %jit3A_338 = arith.constant 0xFF800000 : f32
      %broadcast_in_dim3A_339 = vector.broadcast %jit3A_338 : f32 to vector<8x2048xf32>
      %select_n3A_340 = arith.select %eq3A_337, %broadcast_in_dim3A_339, %select_n3A_318 : vector<8x2048xi1>, vector<8x2048xf32>
      %eq3A_341 = arith.constant 8 : i32
      %eq3A_342 = vector.broadcast %eq3A_341 : i32 to vector<8x128xi32>
      %eq3A_343 = arith.cmpi eq, %iota3A_150, %eq3A_342 : vector<8x128xi32>
      %broadcast_in_dim3A_344 = vector.shape_cast %broadcast_in_dim3A_335 : vector<8x1xi32> to vector<8x1xi32>
      %broadcast_in_dim3A_345 = vector.broadcast %broadcast_in_dim3A_344 : vector<8x1xi32> to vector<8x128xi32>
      %select_n3A_346 = arith.select %eq3A_343, %broadcast_in_dim3A_345, %select_n3A_324 : vector<8x128xi1>, vector<8x128xi32>
      %reduce_max3A_347 = arith.constant dense<0xFF800000> : vector<8xf32>
      %reduce_max3A_348 = vector.multi_reduction <maximumf>, %select_n3A_340, %reduce_max3A_347 [1] : vector<8x2048xf32> to vector<8xf32>
      %broadcast_in_dim3A_349 = vector.shape_cast %reduce_max3A_348 : vector<8xf32> to vector<8x1xf32>
      %eq3A_350 = vector.broadcast %broadcast_in_dim3A_349 : vector<8x1xf32> to vector<8x2048xf32>
      %eq3A_351 = arith.cmpf oeq, %select_n3A_340, %eq3A_350 : vector<8x2048xf32>
      %jit3A_352 = arith.constant 2147483647 : i32
      %broadcast_in_dim3A_353 = vector.broadcast %jit3A_352 : i32 to vector<8x2048xi32>
      %select_n3A_354 = arith.select %eq3A_351, %concatenate3A_147, %broadcast_in_dim3A_353 : vector<8x2048xi1>, vector<8x2048xi32>
      %reduce_min3A_355 = arith.constant dense<2147483647> : vector<8xi32>
      %reduce_min3A_356 = vector.multi_reduction <minsi>, %select_n3A_354, %reduce_min3A_355 [1] : vector<8x2048xi32> to vector<8xi32>
      %broadcast_in_dim3A_357 = vector.shape_cast %reduce_min3A_356 : vector<8xi32> to vector<8x1xi32>
      %eq3A_358 = arith.constant 9 : i32
      %eq3A_359 = vector.broadcast %eq3A_358 : i32 to vector<8x128xi32>
      %eq3A_360 = arith.cmpi eq, %iota3A_150, %eq3A_359 : vector<8x128xi32>
      %broadcast_in_dim3A_361 = vector.shape_cast %broadcast_in_dim3A_357 : vector<8x1xi32> to vector<8x1xi32>
      %broadcast_in_dim3A_362 = vector.broadcast %broadcast_in_dim3A_361 : vector<8x1xi32> to vector<8x128xi32>
      %select_n3A_363 = arith.select %eq3A_360, %broadcast_in_dim3A_362, %select_n3A_346 : vector<8x128xi1>, vector<8x128xi32>
      %slice3A_364 = vector.extract_strided_slice %select_n3A_363 {offsets = [0, 0], sizes = [8, 10], strides = [1, 1]} : vector<8x128xi32> to vector<8x10xi32>
      %broadcast_in_dim3A_365 = vector.shape_cast %slice3A_364 : vector<8x10xi32> to vector<1x8x10xi32>
      %swap3A = arith.constant 0 : index
      %swap3A_366 = arith.constant 0 : index
      %swap3A_367 = arith.constant 0 : index
      %swap3A_368 = vector.load %arg3[%swap3A, %swap3A_366, %swap3A_367] : memref<1x8x10xi32, #tpu.memory_space<vmem>>, vector<1x8x10xi32>
      tpu.vector_store %arg3[%swap3A, %swap3A_366, %swap3A_367], %broadcast_in_dim3A_365 {strides = array<i32>} : memref<1x8x10xi32, #tpu.memory_space<vmem>>, vector<1x8x10xi32>,
    } else {
    }
    return
  }
  func.func @transform_0(%arg0: i32) -> (i32, i32) {
    %c0_i32 = arith.constant 0 : i32
    %c0_i32_0 = arith.constant 0 : i32
    %c0_i32_1 = arith.constant 0 : i32
    return %c0_i32, %c0_i32_0 : i32, i32
  }
  func.func @transform_1(%arg0: i32) -> (i32, i32) {
    %c0_i32 = arith.constant 0 : i32
    %c0_i32_0 = arith.constant 0 : i32
    return %arg0, %c0_i32 : i32, i32
  }
  func.func @transform_2(%arg0: i32) -> (i32, i32, i32) {
    %jit3A = arith.constant 2 : i32
    %div3A = arith.divsi %arg0, %jit3A : i32
    %sign3A = arith.constant 0 : i32
    %sign3A_0 = arith.cmpi sgt, %arg0, %sign3A : i32
    %sign3A_1 = arith.extui %sign3A_0 : i1 to i32
    %sign3A_2 = arith.constant 0 : i32
    %sign3A_3 = arith.cmpi slt, %arg0, %sign3A_2 : i32
    %sign3A_4 = arith.extui %sign3A_3 : i1 to i32
    %sign3A_5 = arith.subi %sign3A_1, %sign3A_4 : i32
    %sign3A_6 = arith.constant 0 : i32
    %sign3A_7 = arith.cmpi sgt, %jit3A, %sign3A_6 : i32
    %sign3A_8 = arith.extui %sign3A_7 : i1 to i32
    %sign3A_9 = arith.constant 0 : i32
    %sign3A_10 = arith.cmpi slt, %jit3A, %sign3A_9 : i32
    %sign3A_11 = arith.extui %sign3A_10 : i1 to i32
    %sign3A_12 = arith.subi %sign3A_8, %sign3A_11 : i32
    %ne3A = arith.cmpi ne, %sign3A_5, %sign3A_12 : i32
    %rem3A = arith.remsi %arg0, %jit3A : i32
    %ne3A_13 = arith.constant 0 : i32
    %ne3A_14 = arith.cmpi ne, %rem3A, %ne3A_13 : i32
    %and3A = arith.andi %ne3A, %ne3A_14 : i1
    %sub3A = arith.constant 1 : i32
    %sub3A_15 = arith.subi %div3A, %sub3A : i32
    %select_n3A = arith.select %and3A, %sub3A_15, %div3A : i32
    %c0_i32 = arith.constant 0 : i32
    %c0_i32_16 = arith.constant 0 : i32
    %c0_i32_17 = arith.constant 0 : i32
    return %select_n3A, %c0_i32, %c0_i32_16 : i32, i32, i32
  }
}

module attributes {stable_mosaic.version = 14 : i64} {
  func.func @_rescore_kernel(%arg0: memref<8x128xf32, #tpu.memory_space<vmem>>, %arg1: memref<4096x128xf32, #tpu.memory_space<vmem>>, %arg2: memref<8x512xi32, #tpu.memory_space<vmem>>, %arg3: memref<8x128xf32, #tpu.memory_space<vmem>>, %arg4: memref<8x128xi32, #tpu.memory_space<vmem>>) attributes {dimension_semantics = [], scalar_prefetch = 0 : i64, scratch_operands = 0 : i64, tpu.core_type = #tpu.core_type<tc>} {
    %get3A = arith.constant 0 : index
    %get3A_0 = arith.constant 0 : index
    %get3A_1 = vector.load %arg0[%get3A, %get3A_0] : memref<8x128xf32, #tpu.memory_space<vmem>>, vector<8x128xf32>
    %mul3A = arith.mulf %get3A_1, %get3A_1 : vector<8x128xf32>
    %reduce_sum3A = arith.constant dense<0.000000e+00> : vector<8xf32>
    %reduce_sum3A_2 = vector.multi_reduction <add>, %mul3A, %reduce_sum3A [1] : vector<8x128xf32> to vector<8xf32>
    %broadcast_in_dim3A = vector.shape_cast %reduce_sum3A_2 : vector<8xf32> to vector<8x1xf32>
    %sqrt3A = math.sqrt %broadcast_in_dim3A : vector<8x1xf32>
    %max3A = arith.constant 9.99999993E-9 : f32
    %max3A_3 = vector.broadcast %max3A : f32 to vector<8x1xf32>
    %max3A_4 = arith.maximumf %sqrt3A, %max3A_3 : vector<8x1xf32>
    %div3A = vector.broadcast %max3A_4 : vector<8x1xf32> to vector<8x128xf32>
    %div3A_5 = arith.divf %get3A_1, %div3A : vector<8x128xf32>
    %get3A_6 = arith.constant 0 : index
    %get3A_7 = arith.constant 0 : index
    %get3A_8 = vector.load %arg1[%get3A_6, %get3A_7] : memref<4096x128xf32, #tpu.memory_space<vmem>>, vector<4096x128xf32>
    %mul3A_9 = arith.mulf %get3A_8, %get3A_8 : vector<4096x128xf32>
    %reduce_sum3A_10 = arith.constant dense<0.000000e+00> : vector<4096xf32>
    %reduce_sum3A_11 = vector.multi_reduction <add>, %mul3A_9, %reduce_sum3A_10 [1] : vector<4096x128xf32> to vector<4096xf32>
    %broadcast_in_dim3A_12 = vector.shape_cast %reduce_sum3A_11 : vector<4096xf32> to vector<4096x1xf32>
    %sqrt3A_13 = math.sqrt %broadcast_in_dim3A_12 : vector<4096x1xf32>
    %max3A_14 = arith.constant 9.99999993E-9 : f32
    %max3A_15 = vector.broadcast %max3A_14 : f32 to vector<4096x1xf32>
    %max3A_16 = arith.maximumf %sqrt3A_13, %max3A_15 : vector<4096x1xf32>
    %div3A_17 = vector.broadcast %max3A_16 : vector<4096x1xf32> to vector<4096x128xf32>
    %div3A_18 = arith.divf %get3A_8, %div3A_17 : vector<4096x128xf32>
    %dot_general3A = arith.constant dense<0.000000e+00> : vector<8x4096xf32>
    %dot_general3A_19 = tpu.matmul %div3A_5, %div3A_18, %dot_general3A {dimension_numbers = #tpu.dot_dimension_numbers<[1], [1], [0], [0], [0, 0, 1, 0], [], []>, transpose_lhs_hint = false} : vector<8x128xf32>, vector<4096x128xf32>, vector<8x4096xf32> -> vector<8x4096xf32>
    %slice3A = vector.extract_strided_slice %dot_general3A_19 {offsets = [0, 0], sizes = [1, 512], strides = [1, 1]} : vector<8x4096xf32> to vector<1x512xf32>
    %slice3A_20 = vector.extract_strided_slice %dot_general3A_19 {offsets = [1, 512], sizes = [1, 512], strides = [1, 1]} : vector<8x4096xf32> to vector<1x512xf32>
    %slice3A_21 = vector.extract_strided_slice %dot_general3A_19 {offsets = [2, 1024], sizes = [1, 512], strides = [1, 1]} : vector<8x4096xf32> to vector<1x512xf32>
    %slice3A_22 = vector.extract_strided_slice %dot_general3A_19 {offsets = [3, 1536], sizes = [1, 512], strides = [1, 1]} : vector<8x4096xf32> to vector<1x512xf32>
    %slice3A_23 = vector.extract_strided_slice %dot_general3A_19 {offsets = [4, 2048], sizes = [1, 512], strides = [1, 1]} : vector<8x4096xf32> to vector<1x512xf32>
    %slice3A_24 = vector.extract_strided_slice %dot_general3A_19 {offsets = [5, 2560], sizes = [1, 512], strides = [1, 1]} : vector<8x4096xf32> to vector<1x512xf32>
    %slice3A_25 = vector.extract_strided_slice %dot_general3A_19 {offsets = [6, 3072], sizes = [1, 512], strides = [1, 1]} : vector<8x4096xf32> to vector<1x512xf32>
    %slice3A_26 = vector.extract_strided_slice %dot_general3A_19 {offsets = [7, 3584], sizes = [1, 512], strides = [1, 1]} : vector<8x4096xf32> to vector<1x512xf32>
    %concatenate3A = tpu.concatenate %slice3A, %slice3A_20, %slice3A_21, %slice3A_22, %slice3A_23, %slice3A_24, %slice3A_25, %slice3A_26 in 0 : vector<1x512xf32>, vector<1x512xf32>, vector<1x512xf32>, vector<1x512xf32>, vector<1x512xf32>, vector<1x512xf32>, vector<1x512xf32>, vector<1x512xf32> -> vector<8x512xf32>
    %get3A_27 = arith.constant 0 : index
    %get3A_28 = arith.constant 0 : index
    %get3A_29 = vector.load %arg2[%get3A_27, %get3A_28] : memref<8x512xi32, #tpu.memory_space<vmem>>, vector<8x512xi32>
    %lt3A = arith.constant 1000000 : i32
    %lt3A_30 = vector.broadcast %lt3A : i32 to vector<8x512xi32>
    %lt3A_31 = arith.cmpi slt, %get3A_29, %lt3A_30 : vector<8x512xi32>
    %jit3A = arith.constant 0xFF800000 : f32
    %broadcast_in_dim3A_32 = vector.broadcast %jit3A : f32 to vector<8x512xf32>
    %select_n3A = arith.select %lt3A_31, %concatenate3A, %broadcast_in_dim3A_32 : vector<8x512xi1>, vector<8x512xf32>
    %broadcast_in_dim3A_33 = arith.constant 0xFF800000 : f32
    %broadcast_in_dim3A_34 = vector.broadcast %broadcast_in_dim3A_33 : f32 to vector<8x128xf32>
    %broadcast_in_dim3A_35 = arith.constant 2147483647 : i32
    %broadcast_in_dim3A_36 = vector.broadcast %broadcast_in_dim3A_35 : i32 to vector<8x128xi32>
    %iota3A = tpu.iota {dimensions = array<i32: 1>} : vector<8x128xi32>
    %reduce_max3A = arith.constant dense<0xFF800000> : vector<8xf32>
    %reduce_max3A_37 = vector.multi_reduction <maximumf>, %select_n3A, %reduce_max3A [1] : vector<8x512xf32> to vector<8xf32>
    %broadcast_in_dim3A_38 = vector.shape_cast %reduce_max3A_37 : vector<8xf32> to vector<8x1xf32>
    %eq3A = vector.broadcast %broadcast_in_dim3A_38 : vector<8x1xf32> to vector<8x512xf32>
    %eq3A_39 = arith.cmpf oeq, %select_n3A, %eq3A : vector<8x512xf32>
    %jit3A_40 = arith.constant 2147483647 : i32
    %broadcast_in_dim3A_41 = vector.broadcast %jit3A_40 : i32 to vector<8x512xi32>
    %select_n3A_42 = arith.select %eq3A_39, %get3A_29, %broadcast_in_dim3A_41 : vector<8x512xi1>, vector<8x512xi32>
    %reduce_min3A = arith.constant dense<2147483647> : vector<8xi32>
    %reduce_min3A_43 = vector.multi_reduction <minsi>, %select_n3A_42, %reduce_min3A [1] : vector<8x512xi32> to vector<8xi32>
    %broadcast_in_dim3A_44 = vector.shape_cast %reduce_min3A_43 : vector<8xi32> to vector<8x1xi32>
    %eq3A_45 = vector.broadcast %broadcast_in_dim3A_44 : vector<8x1xi32> to vector<8x512xi32>
    %eq3A_46 = arith.cmpi eq, %get3A_29, %eq3A_45 : vector<8x512xi32>
    %jit3A_47 = arith.constant 0xFF800000 : f32
    %broadcast_in_dim3A_48 = vector.broadcast %jit3A_47 : f32 to vector<8x512xf32>
    %select_n3A_49 = arith.select %eq3A_46, %broadcast_in_dim3A_48, %select_n3A : vector<8x512xi1>, vector<8x512xf32>
    %eq3A_50 = arith.constant 0 : i32
    %eq3A_51 = vector.broadcast %eq3A_50 : i32 to vector<8x128xi32>
    %eq3A_52 = arith.cmpi eq, %iota3A, %eq3A_51 : vector<8x128xi32>
    %broadcast_in_dim3A_53 = vector.shape_cast %broadcast_in_dim3A_38 : vector<8x1xf32> to vector<8x1xf32>
    %broadcast_in_dim3A_54 = vector.broadcast %broadcast_in_dim3A_53 : vector<8x1xf32> to vector<8x128xf32>
    %select_n3A_55 = arith.select %eq3A_52, %broadcast_in_dim3A_54, %broadcast_in_dim3A_34 : vector<8x128xi1>, vector<8x128xf32>
    %eq3A_56 = arith.constant 0 : i32
    %eq3A_57 = vector.broadcast %eq3A_56 : i32 to vector<8x128xi32>
    %eq3A_58 = arith.cmpi eq, %iota3A, %eq3A_57 : vector<8x128xi32>
    %broadcast_in_dim3A_59 = vector.shape_cast %broadcast_in_dim3A_44 : vector<8x1xi32> to vector<8x1xi32>
    %broadcast_in_dim3A_60 = vector.broadcast %broadcast_in_dim3A_59 : vector<8x1xi32> to vector<8x128xi32>
    %select_n3A_61 = arith.select %eq3A_58, %broadcast_in_dim3A_60, %broadcast_in_dim3A_36 : vector<8x128xi1>, vector<8x128xi32>
    %reduce_max3A_62 = arith.constant dense<0xFF800000> : vector<8xf32>
    %reduce_max3A_63 = vector.multi_reduction <maximumf>, %select_n3A_49, %reduce_max3A_62 [1] : vector<8x512xf32> to vector<8xf32>
    %broadcast_in_dim3A_64 = vector.shape_cast %reduce_max3A_63 : vector<8xf32> to vector<8x1xf32>
    %eq3A_65 = vector.broadcast %broadcast_in_dim3A_64 : vector<8x1xf32> to vector<8x512xf32>
    %eq3A_66 = arith.cmpf oeq, %select_n3A_49, %eq3A_65 : vector<8x512xf32>
    %jit3A_67 = arith.constant 2147483647 : i32
    %broadcast_in_dim3A_68 = vector.broadcast %jit3A_67 : i32 to vector<8x512xi32>
    %select_n3A_69 = arith.select %eq3A_66, %get3A_29, %broadcast_in_dim3A_68 : vector<8x512xi1>, vector<8x512xi32>
    %reduce_min3A_70 = arith.constant dense<2147483647> : vector<8xi32>
    %reduce_min3A_71 = vector.multi_reduction <minsi>, %select_n3A_69, %reduce_min3A_70 [1] : vector<8x512xi32> to vector<8xi32>
    %broadcast_in_dim3A_72 = vector.shape_cast %reduce_min3A_71 : vector<8xi32> to vector<8x1xi32>
    %eq3A_73 = vector.broadcast %broadcast_in_dim3A_72 : vector<8x1xi32> to vector<8x512xi32>
    %eq3A_74 = arith.cmpi eq, %get3A_29, %eq3A_73 : vector<8x512xi32>
    %jit3A_75 = arith.constant 0xFF800000 : f32
    %broadcast_in_dim3A_76 = vector.broadcast %jit3A_75 : f32 to vector<8x512xf32>
    %select_n3A_77 = arith.select %eq3A_74, %broadcast_in_dim3A_76, %select_n3A_49 : vector<8x512xi1>, vector<8x512xf32>
    %eq3A_78 = arith.constant 1 : i32
    %eq3A_79 = vector.broadcast %eq3A_78 : i32 to vector<8x128xi32>
    %eq3A_80 = arith.cmpi eq, %iota3A, %eq3A_79 : vector<8x128xi32>
    %broadcast_in_dim3A_81 = vector.shape_cast %broadcast_in_dim3A_64 : vector<8x1xf32> to vector<8x1xf32>
    %broadcast_in_dim3A_82 = vector.broadcast %broadcast_in_dim3A_81 : vector<8x1xf32> to vector<8x128xf32>
    %select_n3A_83 = arith.select %eq3A_80, %broadcast_in_dim3A_82, %select_n3A_55 : vector<8x128xi1>, vector<8x128xf32>
    %eq3A_84 = arith.constant 1 : i32
    %eq3A_85 = vector.broadcast %eq3A_84 : i32 to vector<8x128xi32>
    %eq3A_86 = arith.cmpi eq, %iota3A, %eq3A_85 : vector<8x128xi32>
    %broadcast_in_dim3A_87 = vector.shape_cast %broadcast_in_dim3A_72 : vector<8x1xi32> to vector<8x1xi32>
    %broadcast_in_dim3A_88 = vector.broadcast %broadcast_in_dim3A_87 : vector<8x1xi32> to vector<8x128xi32>
    %select_n3A_89 = arith.select %eq3A_86, %broadcast_in_dim3A_88, %select_n3A_61 : vector<8x128xi1>, vector<8x128xi32>
    %reduce_max3A_90 = arith.constant dense<0xFF800000> : vector<8xf32>
    %reduce_max3A_91 = vector.multi_reduction <maximumf>, %select_n3A_77, %reduce_max3A_90 [1] : vector<8x512xf32> to vector<8xf32>
    %broadcast_in_dim3A_92 = vector.shape_cast %reduce_max3A_91 : vector<8xf32> to vector<8x1xf32>
    %eq3A_93 = vector.broadcast %broadcast_in_dim3A_92 : vector<8x1xf32> to vector<8x512xf32>
    %eq3A_94 = arith.cmpf oeq, %select_n3A_77, %eq3A_93 : vector<8x512xf32>
    %jit3A_95 = arith.constant 2147483647 : i32
    %broadcast_in_dim3A_96 = vector.broadcast %jit3A_95 : i32 to vector<8x512xi32>
    %select_n3A_97 = arith.select %eq3A_94, %get3A_29, %broadcast_in_dim3A_96 : vector<8x512xi1>, vector<8x512xi32>
    %reduce_min3A_98 = arith.constant dense<2147483647> : vector<8xi32>
    %reduce_min3A_99 = vector.multi_reduction <minsi>, %select_n3A_97, %reduce_min3A_98 [1] : vector<8x512xi32> to vector<8xi32>
    %broadcast_in_dim3A_100 = vector.shape_cast %reduce_min3A_99 : vector<8xi32> to vector<8x1xi32>
    %eq3A_101 = vector.broadcast %broadcast_in_dim3A_100 : vector<8x1xi32> to vector<8x512xi32>
    %eq3A_102 = arith.cmpi eq, %get3A_29, %eq3A_101 : vector<8x512xi32>
    %jit3A_103 = arith.constant 0xFF800000 : f32
    %broadcast_in_dim3A_104 = vector.broadcast %jit3A_103 : f32 to vector<8x512xf32>
    %select_n3A_105 = arith.select %eq3A_102, %broadcast_in_dim3A_104, %select_n3A_77 : vector<8x512xi1>, vector<8x512xf32>
    %eq3A_106 = arith.constant 2 : i32
    %eq3A_107 = vector.broadcast %eq3A_106 : i32 to vector<8x128xi32>
    %eq3A_108 = arith.cmpi eq, %iota3A, %eq3A_107 : vector<8x128xi32>
    %broadcast_in_dim3A_109 = vector.shape_cast %broadcast_in_dim3A_92 : vector<8x1xf32> to vector<8x1xf32>
    %broadcast_in_dim3A_110 = vector.broadcast %broadcast_in_dim3A_109 : vector<8x1xf32> to vector<8x128xf32>
    %select_n3A_111 = arith.select %eq3A_108, %broadcast_in_dim3A_110, %select_n3A_83 : vector<8x128xi1>, vector<8x128xf32>
    %eq3A_112 = arith.constant 2 : i32
    %eq3A_113 = vector.broadcast %eq3A_112 : i32 to vector<8x128xi32>
    %eq3A_114 = arith.cmpi eq, %iota3A, %eq3A_113 : vector<8x128xi32>
    %broadcast_in_dim3A_115 = vector.shape_cast %broadcast_in_dim3A_100 : vector<8x1xi32> to vector<8x1xi32>
    %broadcast_in_dim3A_116 = vector.broadcast %broadcast_in_dim3A_115 : vector<8x1xi32> to vector<8x128xi32>
    %select_n3A_117 = arith.select %eq3A_114, %broadcast_in_dim3A_116, %select_n3A_89 : vector<8x128xi1>, vector<8x128xi32>
    %reduce_max3A_118 = arith.constant dense<0xFF800000> : vector<8xf32>
    %reduce_max3A_119 = vector.multi_reduction <maximumf>, %select_n3A_105, %reduce_max3A_118 [1] : vector<8x512xf32> to vector<8xf32>
    %broadcast_in_dim3A_120 = vector.shape_cast %reduce_max3A_119 : vector<8xf32> to vector<8x1xf32>
    %eq3A_121 = vector.broadcast %broadcast_in_dim3A_120 : vector<8x1xf32> to vector<8x512xf32>
    %eq3A_122 = arith.cmpf oeq, %select_n3A_105, %eq3A_121 : vector<8x512xf32>
    %jit3A_123 = arith.constant 2147483647 : i32
    %broadcast_in_dim3A_124 = vector.broadcast %jit3A_123 : i32 to vector<8x512xi32>
    %select_n3A_125 = arith.select %eq3A_122, %get3A_29, %broadcast_in_dim3A_124 : vector<8x512xi1>, vector<8x512xi32>
    %reduce_min3A_126 = arith.constant dense<2147483647> : vector<8xi32>
    %reduce_min3A_127 = vector.multi_reduction <minsi>, %select_n3A_125, %reduce_min3A_126 [1] : vector<8x512xi32> to vector<8xi32>
    %broadcast_in_dim3A_128 = vector.shape_cast %reduce_min3A_127 : vector<8xi32> to vector<8x1xi32>
    %eq3A_129 = vector.broadcast %broadcast_in_dim3A_128 : vector<8x1xi32> to vector<8x512xi32>
    %eq3A_130 = arith.cmpi eq, %get3A_29, %eq3A_129 : vector<8x512xi32>
    %jit3A_131 = arith.constant 0xFF800000 : f32
    %broadcast_in_dim3A_132 = vector.broadcast %jit3A_131 : f32 to vector<8x512xf32>
    %select_n3A_133 = arith.select %eq3A_130, %broadcast_in_dim3A_132, %select_n3A_105 : vector<8x512xi1>, vector<8x512xf32>
    %eq3A_134 = arith.constant 3 : i32
    %eq3A_135 = vector.broadcast %eq3A_134 : i32 to vector<8x128xi32>
    %eq3A_136 = arith.cmpi eq, %iota3A, %eq3A_135 : vector<8x128xi32>
    %broadcast_in_dim3A_137 = vector.shape_cast %broadcast_in_dim3A_120 : vector<8x1xf32> to vector<8x1xf32>
    %broadcast_in_dim3A_138 = vector.broadcast %broadcast_in_dim3A_137 : vector<8x1xf32> to vector<8x128xf32>
    %select_n3A_139 = arith.select %eq3A_136, %broadcast_in_dim3A_138, %select_n3A_111 : vector<8x128xi1>, vector<8x128xf32>
    %eq3A_140 = arith.constant 3 : i32
    %eq3A_141 = vector.broadcast %eq3A_140 : i32 to vector<8x128xi32>
    %eq3A_142 = arith.cmpi eq, %iota3A, %eq3A_141 : vector<8x128xi32>
    %broadcast_in_dim3A_143 = vector.shape_cast %broadcast_in_dim3A_128 : vector<8x1xi32> to vector<8x1xi32>
    %broadcast_in_dim3A_144 = vector.broadcast %broadcast_in_dim3A_143 : vector<8x1xi32> to vector<8x128xi32>
    %select_n3A_145 = arith.select %eq3A_142, %broadcast_in_dim3A_144, %select_n3A_117 : vector<8x128xi1>, vector<8x128xi32>
    %reduce_max3A_146 = arith.constant dense<0xFF800000> : vector<8xf32>
    %reduce_max3A_147 = vector.multi_reduction <maximumf>, %select_n3A_133, %reduce_max3A_146 [1] : vector<8x512xf32> to vector<8xf32>
    %broadcast_in_dim3A_148 = vector.shape_cast %reduce_max3A_147 : vector<8xf32> to vector<8x1xf32>
    %eq3A_149 = vector.broadcast %broadcast_in_dim3A_148 : vector<8x1xf32> to vector<8x512xf32>
    %eq3A_150 = arith.cmpf oeq, %select_n3A_133, %eq3A_149 : vector<8x512xf32>
    %jit3A_151 = arith.constant 2147483647 : i32
    %broadcast_in_dim3A_152 = vector.broadcast %jit3A_151 : i32 to vector<8x512xi32>
    %select_n3A_153 = arith.select %eq3A_150, %get3A_29, %broadcast_in_dim3A_152 : vector<8x512xi1>, vector<8x512xi32>
    %reduce_min3A_154 = arith.constant dense<2147483647> : vector<8xi32>
    %reduce_min3A_155 = vector.multi_reduction <minsi>, %select_n3A_153, %reduce_min3A_154 [1] : vector<8x512xi32> to vector<8xi32>
    %broadcast_in_dim3A_156 = vector.shape_cast %reduce_min3A_155 : vector<8xi32> to vector<8x1xi32>
    %eq3A_157 = vector.broadcast %broadcast_in_dim3A_156 : vector<8x1xi32> to vector<8x512xi32>
    %eq3A_158 = arith.cmpi eq, %get3A_29, %eq3A_157 : vector<8x512xi32>
    %jit3A_159 = arith.constant 0xFF800000 : f32
    %broadcast_in_dim3A_160 = vector.broadcast %jit3A_159 : f32 to vector<8x512xf32>
    %select_n3A_161 = arith.select %eq3A_158, %broadcast_in_dim3A_160, %select_n3A_133 : vector<8x512xi1>, vector<8x512xf32>
    %eq3A_162 = arith.constant 4 : i32
    %eq3A_163 = vector.broadcast %eq3A_162 : i32 to vector<8x128xi32>
    %eq3A_164 = arith.cmpi eq, %iota3A, %eq3A_163 : vector<8x128xi32>
    %broadcast_in_dim3A_165 = vector.shape_cast %broadcast_in_dim3A_148 : vector<8x1xf32> to vector<8x1xf32>
    %broadcast_in_dim3A_166 = vector.broadcast %broadcast_in_dim3A_165 : vector<8x1xf32> to vector<8x128xf32>
    %select_n3A_167 = arith.select %eq3A_164, %broadcast_in_dim3A_166, %select_n3A_139 : vector<8x128xi1>, vector<8x128xf32>
    %eq3A_168 = arith.constant 4 : i32
    %eq3A_169 = vector.broadcast %eq3A_168 : i32 to vector<8x128xi32>
    %eq3A_170 = arith.cmpi eq, %iota3A, %eq3A_169 : vector<8x128xi32>
    %broadcast_in_dim3A_171 = vector.shape_cast %broadcast_in_dim3A_156 : vector<8x1xi32> to vector<8x1xi32>
    %broadcast_in_dim3A_172 = vector.broadcast %broadcast_in_dim3A_171 : vector<8x1xi32> to vector<8x128xi32>
    %select_n3A_173 = arith.select %eq3A_170, %broadcast_in_dim3A_172, %select_n3A_145 : vector<8x128xi1>, vector<8x128xi32>
    %reduce_max3A_174 = arith.constant dense<0xFF800000> : vector<8xf32>
    %reduce_max3A_175 = vector.multi_reduction <maximumf>, %select_n3A_161, %reduce_max3A_174 [1] : vector<8x512xf32> to vector<8xf32>
    %broadcast_in_dim3A_176 = vector.shape_cast %reduce_max3A_175 : vector<8xf32> to vector<8x1xf32>
    %eq3A_177 = vector.broadcast %broadcast_in_dim3A_176 : vector<8x1xf32> to vector<8x512xf32>
    %eq3A_178 = arith.cmpf oeq, %select_n3A_161, %eq3A_177 : vector<8x512xf32>
    %jit3A_179 = arith.constant 2147483647 : i32
    %broadcast_in_dim3A_180 = vector.broadcast %jit3A_179 : i32 to vector<8x512xi32>
    %select_n3A_181 = arith.select %eq3A_178, %get3A_29, %broadcast_in_dim3A_180 : vector<8x512xi1>, vector<8x512xi32>
    %reduce_min3A_182 = arith.constant dense<2147483647> : vector<8xi32>
    %reduce_min3A_183 = vector.multi_reduction <minsi>, %select_n3A_181, %reduce_min3A_182 [1] : vector<8x512xi32> to vector<8xi32>
    %broadcast_in_dim3A_184 = vector.shape_cast %reduce_min3A_183 : vector<8xi32> to vector<8x1xi32>
    %eq3A_185 = vector.broadcast %broadcast_in_dim3A_184 : vector<8x1xi32> to vector<8x512xi32>
    %eq3A_186 = arith.cmpi eq, %get3A_29, %eq3A_185 : vector<8x512xi32>
    %jit3A_187 = arith.constant 0xFF800000 : f32
    %broadcast_in_dim3A_188 = vector.broadcast %jit3A_187 : f32 to vector<8x512xf32>
    %select_n3A_189 = arith.select %eq3A_186, %broadcast_in_dim3A_188, %select_n3A_161 : vector<8x512xi1>, vector<8x512xf32>
    %eq3A_190 = arith.constant 5 : i32
    %eq3A_191 = vector.broadcast %eq3A_190 : i32 to vector<8x128xi32>
    %eq3A_192 = arith.cmpi eq, %iota3A, %eq3A_191 : vector<8x128xi32>
    %broadcast_in_dim3A_193 = vector.shape_cast %broadcast_in_dim3A_176 : vector<8x1xf32> to vector<8x1xf32>
    %broadcast_in_dim3A_194 = vector.broadcast %broadcast_in_dim3A_193 : vector<8x1xf32> to vector<8x128xf32>
    %select_n3A_195 = arith.select %eq3A_192, %broadcast_in_dim3A_194, %select_n3A_167 : vector<8x128xi1>, vector<8x128xf32>
    %eq3A_196 = arith.constant 5 : i32
    %eq3A_197 = vector.broadcast %eq3A_196 : i32 to vector<8x128xi32>
    %eq3A_198 = arith.cmpi eq, %iota3A, %eq3A_197 : vector<8x128xi32>
    %broadcast_in_dim3A_199 = vector.shape_cast %broadcast_in_dim3A_184 : vector<8x1xi32> to vector<8x1xi32>
    %broadcast_in_dim3A_200 = vector.broadcast %broadcast_in_dim3A_199 : vector<8x1xi32> to vector<8x128xi32>
    %select_n3A_201 = arith.select %eq3A_198, %broadcast_in_dim3A_200, %select_n3A_173 : vector<8x128xi1>, vector<8x128xi32>
    %reduce_max3A_202 = arith.constant dense<0xFF800000> : vector<8xf32>
    %reduce_max3A_203 = vector.multi_reduction <maximumf>, %select_n3A_189, %reduce_max3A_202 [1] : vector<8x512xf32> to vector<8xf32>
    %broadcast_in_dim3A_204 = vector.shape_cast %reduce_max3A_203 : vector<8xf32> to vector<8x1xf32>
    %eq3A_205 = vector.broadcast %broadcast_in_dim3A_204 : vector<8x1xf32> to vector<8x512xf32>
    %eq3A_206 = arith.cmpf oeq, %select_n3A_189, %eq3A_205 : vector<8x512xf32>
    %jit3A_207 = arith.constant 2147483647 : i32
    %broadcast_in_dim3A_208 = vector.broadcast %jit3A_207 : i32 to vector<8x512xi32>
    %select_n3A_209 = arith.select %eq3A_206, %get3A_29, %broadcast_in_dim3A_208 : vector<8x512xi1>, vector<8x512xi32>
    %reduce_min3A_210 = arith.constant dense<2147483647> : vector<8xi32>
    %reduce_min3A_211 = vector.multi_reduction <minsi>, %select_n3A_209, %reduce_min3A_210 [1] : vector<8x512xi32> to vector<8xi32>
    %broadcast_in_dim3A_212 = vector.shape_cast %reduce_min3A_211 : vector<8xi32> to vector<8x1xi32>
    %eq3A_213 = vector.broadcast %broadcast_in_dim3A_212 : vector<8x1xi32> to vector<8x512xi32>
    %eq3A_214 = arith.cmpi eq, %get3A_29, %eq3A_213 : vector<8x512xi32>
    %jit3A_215 = arith.constant 0xFF800000 : f32
    %broadcast_in_dim3A_216 = vector.broadcast %jit3A_215 : f32 to vector<8x512xf32>
    %select_n3A_217 = arith.select %eq3A_214, %broadcast_in_dim3A_216, %select_n3A_189 : vector<8x512xi1>, vector<8x512xf32>
    %eq3A_218 = arith.constant 6 : i32
    %eq3A_219 = vector.broadcast %eq3A_218 : i32 to vector<8x128xi32>
    %eq3A_220 = arith.cmpi eq, %iota3A, %eq3A_219 : vector<8x128xi32>
    %broadcast_in_dim3A_221 = vector.shape_cast %broadcast_in_dim3A_204 : vector<8x1xf32> to vector<8x1xf32>
    %broadcast_in_dim3A_222 = vector.broadcast %broadcast_in_dim3A_221 : vector<8x1xf32> to vector<8x128xf32>
    %select_n3A_223 = arith.select %eq3A_220, %broadcast_in_dim3A_222, %select_n3A_195 : vector<8x128xi1>, vector<8x128xf32>
    %eq3A_224 = arith.constant 6 : i32
    %eq3A_225 = vector.broadcast %eq3A_224 : i32 to vector<8x128xi32>
    %eq3A_226 = arith.cmpi eq, %iota3A, %eq3A_225 : vector<8x128xi32>
    %broadcast_in_dim3A_227 = vector.shape_cast %broadcast_in_dim3A_212 : vector<8x1xi32> to vector<8x1xi32>
    %broadcast_in_dim3A_228 = vector.broadcast %broadcast_in_dim3A_227 : vector<8x1xi32> to vector<8x128xi32>
    %select_n3A_229 = arith.select %eq3A_226, %broadcast_in_dim3A_228, %select_n3A_201 : vector<8x128xi1>, vector<8x128xi32>
    %reduce_max3A_230 = arith.constant dense<0xFF800000> : vector<8xf32>
    %reduce_max3A_231 = vector.multi_reduction <maximumf>, %select_n3A_217, %reduce_max3A_230 [1] : vector<8x512xf32> to vector<8xf32>
    %broadcast_in_dim3A_232 = vector.shape_cast %reduce_max3A_231 : vector<8xf32> to vector<8x1xf32>
    %eq3A_233 = vector.broadcast %broadcast_in_dim3A_232 : vector<8x1xf32> to vector<8x512xf32>
    %eq3A_234 = arith.cmpf oeq, %select_n3A_217, %eq3A_233 : vector<8x512xf32>
    %jit3A_235 = arith.constant 2147483647 : i32
    %broadcast_in_dim3A_236 = vector.broadcast %jit3A_235 : i32 to vector<8x512xi32>
    %select_n3A_237 = arith.select %eq3A_234, %get3A_29, %broadcast_in_dim3A_236 : vector<8x512xi1>, vector<8x512xi32>
    %reduce_min3A_238 = arith.constant dense<2147483647> : vector<8xi32>
    %reduce_min3A_239 = vector.multi_reduction <minsi>, %select_n3A_237, %reduce_min3A_238 [1] : vector<8x512xi32> to vector<8xi32>
    %broadcast_in_dim3A_240 = vector.shape_cast %reduce_min3A_239 : vector<8xi32> to vector<8x1xi32>
    %eq3A_241 = vector.broadcast %broadcast_in_dim3A_240 : vector<8x1xi32> to vector<8x512xi32>
    %eq3A_242 = arith.cmpi eq, %get3A_29, %eq3A_241 : vector<8x512xi32>
    %jit3A_243 = arith.constant 0xFF800000 : f32
    %broadcast_in_dim3A_244 = vector.broadcast %jit3A_243 : f32 to vector<8x512xf32>
    %select_n3A_245 = arith.select %eq3A_242, %broadcast_in_dim3A_244, %select_n3A_217 : vector<8x512xi1>, vector<8x512xf32>
    %eq3A_246 = arith.constant 7 : i32
    %eq3A_247 = vector.broadcast %eq3A_246 : i32 to vector<8x128xi32>
    %eq3A_248 = arith.cmpi eq, %iota3A, %eq3A_247 : vector<8x128xi32>
    %broadcast_in_dim3A_249 = vector.shape_cast %broadcast_in_dim3A_232 : vector<8x1xf32> to vector<8x1xf32>
    %broadcast_in_dim3A_250 = vector.broadcast %broadcast_in_dim3A_249 : vector<8x1xf32> to vector<8x128xf32>
    %select_n3A_251 = arith.select %eq3A_248, %broadcast_in_dim3A_250, %select_n3A_223 : vector<8x128xi1>, vector<8x128xf32>
    %eq3A_252 = arith.constant 7 : i32
    %eq3A_253 = vector.broadcast %eq3A_252 : i32 to vector<8x128xi32>
    %eq3A_254 = arith.cmpi eq, %iota3A, %eq3A_253 : vector<8x128xi32>
    %broadcast_in_dim3A_255 = vector.shape_cast %broadcast_in_dim3A_240 : vector<8x1xi32> to vector<8x1xi32>
    %broadcast_in_dim3A_256 = vector.broadcast %broadcast_in_dim3A_255 : vector<8x1xi32> to vector<8x128xi32>
    %select_n3A_257 = arith.select %eq3A_254, %broadcast_in_dim3A_256, %select_n3A_229 : vector<8x128xi1>, vector<8x128xi32>
    %reduce_max3A_258 = arith.constant dense<0xFF800000> : vector<8xf32>
    %reduce_max3A_259 = vector.multi_reduction <maximumf>, %select_n3A_245, %reduce_max3A_258 [1] : vector<8x512xf32> to vector<8xf32>
    %broadcast_in_dim3A_260 = vector.shape_cast %reduce_max3A_259 : vector<8xf32> to vector<8x1xf32>
    %eq3A_261 = vector.broadcast %broadcast_in_dim3A_260 : vector<8x1xf32> to vector<8x512xf32>
    %eq3A_262 = arith.cmpf oeq, %select_n3A_245, %eq3A_261 : vector<8x512xf32>
    %jit3A_263 = arith.constant 2147483647 : i32
    %broadcast_in_dim3A_264 = vector.broadcast %jit3A_263 : i32 to vector<8x512xi32>
    %select_n3A_265 = arith.select %eq3A_262, %get3A_29, %broadcast_in_dim3A_264 : vector<8x512xi1>, vector<8x512xi32>
    %reduce_min3A_266 = arith.constant dense<2147483647> : vector<8xi32>
    %reduce_min3A_267 = vector.multi_reduction <minsi>, %select_n3A_265, %reduce_min3A_266 [1] : vector<8x512xi32> to vector<8xi32>
    %broadcast_in_dim3A_268 = vector.shape_cast %reduce_min3A_267 : vector<8xi32> to vector<8x1xi32>
    %eq3A_269 = vector.broadcast %broadcast_in_dim3A_268 : vector<8x1xi32> to vector<8x512xi32>
    %eq3A_270 = arith.cmpi eq, %get3A_29, %eq3A_269 : vector<8x512xi32>
    %jit3A_271 = arith.constant 0xFF800000 : f32
    %broadcast_in_dim3A_272 = vector.broadcast %jit3A_271 : f32 to vector<8x512xf32>
    %select_n3A_273 = arith.select %eq3A_270, %broadcast_in_dim3A_272, %select_n3A_245 : vector<8x512xi1>, vector<8x512xf32>
    %eq3A_274 = arith.constant 8 : i32
    %eq3A_275 = vector.broadcast %eq3A_274 : i32 to vector<8x128xi32>
    %eq3A_276 = arith.cmpi eq, %iota3A, %eq3A_275 : vector<8x128xi32>
    %broadcast_in_dim3A_277 = vector.shape_cast %broadcast_in_dim3A_260 : vector<8x1xf32> to vector<8x1xf32>
    %broadcast_in_dim3A_278 = vector.broadcast %broadcast_in_dim3A_277 : vector<8x1xf32> to vector<8x128xf32>
    %select_n3A_279 = arith.select %eq3A_276, %broadcast_in_dim3A_278, %select_n3A_251 : vector<8x128xi1>, vector<8x128xf32>
    %eq3A_280 = arith.constant 8 : i32
    %eq3A_281 = vector.broadcast %eq3A_280 : i32 to vector<8x128xi32>
    %eq3A_282 = arith.cmpi eq, %iota3A, %eq3A_281 : vector<8x128xi32>
    %broadcast_in_dim3A_283 = vector.shape_cast %broadcast_in_dim3A_268 : vector<8x1xi32> to vector<8x1xi32>
    %broadcast_in_dim3A_284 = vector.broadcast %broadcast_in_dim3A_283 : vector<8x1xi32> to vector<8x128xi32>
    %select_n3A_285 = arith.select %eq3A_282, %broadcast_in_dim3A_284, %select_n3A_257 : vector<8x128xi1>, vector<8x128xi32>
    %reduce_max3A_286 = arith.constant dense<0xFF800000> : vector<8xf32>
    %reduce_max3A_287 = vector.multi_reduction <maximumf>, %select_n3A_273, %reduce_max3A_286 [1] : vector<8x512xf32> to vector<8xf32>
    %broadcast_in_dim3A_288 = vector.shape_cast %reduce_max3A_287 : vector<8xf32> to vector<8x1xf32>
    %eq3A_289 = vector.broadcast %broadcast_in_dim3A_288 : vector<8x1xf32> to vector<8x512xf32>
    %eq3A_290 = arith.cmpf oeq, %select_n3A_273, %eq3A_289 : vector<8x512xf32>
    %jit3A_291 = arith.constant 2147483647 : i32
    %broadcast_in_dim3A_292 = vector.broadcast %jit3A_291 : i32 to vector<8x512xi32>
    %select_n3A_293 = arith.select %eq3A_290, %get3A_29, %broadcast_in_dim3A_292 : vector<8x512xi1>, vector<8x512xi32>
    %reduce_min3A_294 = arith.constant dense<2147483647> : vector<8xi32>
    %reduce_min3A_295 = vector.multi_reduction <minsi>, %select_n3A_293, %reduce_min3A_294 [1] : vector<8x512xi32> to vector<8xi32>
    %broadcast_in_dim3A_296 = vector.shape_cast %reduce_min3A_295 : vector<8xi32> to vector<8x1xi32>
    %eq3A_297 = arith.constant 9 : i32
    %eq3A_298 = vector.broadcast %eq3A_297 : i32 to vector<8x128xi32>
    %eq3A_299 = arith.cmpi eq, %iota3A, %eq3A_298 : vector<8x128xi32>
    %broadcast_in_dim3A_300 = vector.shape_cast %broadcast_in_dim3A_288 : vector<8x1xf32> to vector<8x1xf32>
    %broadcast_in_dim3A_301 = vector.broadcast %broadcast_in_dim3A_300 : vector<8x1xf32> to vector<8x128xf32>
    %select_n3A_302 = arith.select %eq3A_299, %broadcast_in_dim3A_301, %select_n3A_279 : vector<8x128xi1>, vector<8x128xf32>
    %eq3A_303 = arith.constant 9 : i32
    %eq3A_304 = vector.broadcast %eq3A_303 : i32 to vector<8x128xi32>
    %eq3A_305 = arith.cmpi eq, %iota3A, %eq3A_304 : vector<8x128xi32>
    %broadcast_in_dim3A_306 = vector.shape_cast %broadcast_in_dim3A_296 : vector<8x1xi32> to vector<8x1xi32>
    %broadcast_in_dim3A_307 = vector.broadcast %broadcast_in_dim3A_306 : vector<8x1xi32> to vector<8x128xi32>
    %select_n3A_308 = arith.select %eq3A_305, %broadcast_in_dim3A_307, %select_n3A_285 : vector<8x128xi1>, vector<8x128xi32>
    %swap3A = arith.constant 0 : index
    %swap3A_309 = arith.constant 0 : index
    %swap3A_310 = vector.load %arg3[%swap3A, %swap3A_309] : memref<8x128xf32, #tpu.memory_space<vmem>>, vector<8x128xf32>
    tpu.vector_store %arg3[%swap3A, %swap3A_309], %select_n3A_302 {strides = array<i32>} : memref<8x128xf32, #tpu.memory_space<vmem>>, vector<8x128xf32>,
    %swap3A_311 = arith.constant 0 : index
    %swap3A_312 = arith.constant 0 : index
    %swap3A_313 = vector.load %arg4[%swap3A_311, %swap3A_312] : memref<8x128xi32, #tpu.memory_space<vmem>>, vector<8x128xi32>
    tpu.vector_store %arg4[%swap3A_311, %swap3A_312], %select_n3A_308 {strides = array<i32>} : memref<8x128xi32, #tpu.memory_space<vmem>>, vector<8x128xi32>,
    return
  }
}

</mosaic_0001>

<sc_bundles>
// kernel: kernel.5.cloned.1.call-start
scs
__scs_entry_jumppad:
0x0: {  	(pc) =	sbr.rel $0x88, $3  }
0x1: {  	(tag) =	ssettag $0x0;
	lr =	simm.s32 $0x1  }
0x2: {  	[smem:$0x3F9F] =	sst lr;
	_ =	strace $0xD0000000  }
0x3: {  	_ = 	snop  }
0x4: {  	_ = 	snop  }
0x5: {  	_ = 	snop  }
0x6: {  	_ = 	snop  }
0x7: {  	_ = 	snop  }
__scs_overlays_trampoline_lowered:
0x8: {  	[smem:$0x3FAE] =	sst s0  }
0x9: {  	[smem:$0x3FAF] =	sst s1  }
0xa: {  	[smem:$0x3FB0] =	sst s2  }
0xb: {  	[smem:$0x3FB1] =	sst s3  }
0xc: {  	[smem:$0x3FB2] =	sst s4  }
0xd: {  	[smem:$0x3FB3] =	sst s5  }
0xe: {  	[smem:$0x3FB4] =	sst s6  }
0xf: {  	[smem:$0x3FB5] =	sst s7  }
0x10: {  	[smem:$0x3FB6] =	sst s8  }
0x11: {  	[smem:$0x3FB7] =	sst s9;
	s0 =	simm.s32 @!p0 $0x0  }
0x12: {  	s1 =	sld [smem:$0x3F9D];
	s0 =	simm.s32 @p0 $0x1  }
0x13: {  	[smem:$0x3FB8] =	sst s0;
	s0 =	simm.s32 @!p1 $0x0  }
0x14: {  	s2 =	sld [smem:$0x3F9C];
	s0 =	simm.s32 @p1 $0x1  }
0x15: {  	[smem:$0x3FB9] =	sst s0;
	s0 =	simm.s32 @!p2 $0x0  }
0x16: {  	s3 =	sld [smem:$0x3FDB];
	s0 =	simm.s32 @p2 $0x1  }
0x17: {  	s4 =	simm.s32 $0x1BF5;
	[smem:$0x3FBB] =	sst s0  }
0x18: {  	s0 =	sld [smem:$0x3F9E];
	_ =	swait.ge [sflag:s4], $0x0  }
0x19: {  	s7 =	sld [smem:$0x3F9F]  }
0x1a: {  	s8 =	sadd.s32 $0xFFFFE003, lr  }
0x1b: {  	s9 =	sadd.s32 $0xFFFFFEF7, lr;
	s5 =	simm.s32 $0xFFFFFFFF;
	p2 =	slt.u32 s8, $0xFFFFF086  }
0x1c: {  	p1 =	slt.u32 s9, $0xF7A;
	s5 =	simm.s32 @!p2 $0x0  }
0x1d: {  	s5 =	simm.s32 @p1 $0x1;
	p0 =	seq.s32 s7, s2  }
0x1e: {  	s7 =	smul.u32 @!p0 $0xF7A, s2;
	p2 =	seq.s32 @!p0 s5, $0x0  }
0x1f: {  	s9 =	smul.u32 $0xF7A, s1;
	s8 =	simm.s32 @!p0 $0x1BF5;
	p2 =	por !p2, p0  }
0x20: {  	[sflag:s8] =	ssyncset.s32 @!p0 $0xFFFFF086;
	s6 =	sadd.s32 @!p0 s3, s7;
	s7 =	simm.s32 @!p0 $0x108  }
0x21: {  	s3 =	sadd.s32 s3, s9;
	s6 =	sadd.s32 @!p0 $0x88, s6;
	s7 =	simm.s32 @p2 $0x1082  }
0x22: {  	[simem:s7], [sflag:s8] =	dma.local @!p0 [hbm:s6], $0xF7A  }
0x23: {  	s9 =	sor.u32 $0xD0000000, s2;
	s6 =	simm.s32 $0x108;
	_ =	swait.ge @!p0 [sflag:s8], $0x0  }
0x24: {  	s3 =	sadd.s32 $0x88, s3;
	s6 =	simm.s32 @!p1 $0x1082;
	[sflag:s4] =	ssyncset.s32 $0xFFFFF086  }
0x25: {  	[simem:s6], [sflag:s4] =	dma.local [hbm:s3], $0xF7A  }
0x26: {  	[smem:$0x3F9F] =	sst s1;
	(tag) =	ssettag s2;
	_ =	strace s9  }
0x27: {  	s1 =	sld [smem:$0x3FAF]  }
0x28: {  	s2 =	sld [smem:$0x3FB0]  }
0x29: {  	s4 =	sld [smem:$0x3FB2]  }
0x2a: {  	p0 =	seq.s32 s5, $0x0;
	s5 =	sld [smem:$0x3FB3]  }
0x2b: {  	s6 =	sld [smem:$0x3FB4]  }
0x2c: {  	s7 =	sld [smem:$0x3FB5]  }
0x2d: {  	s3 =	simm.s32 $0x108;
	s8 =	sld [smem:$0x3FB6]  }
0x2e: {  	s3 =	simm.s32 @!p0 $0x1082;
	s9 =	sld [smem:$0x3FB7]  }
0x2f: {  	lr =	sadd.s32 s0, s3;
	s0 =	sld [smem:$0x3FAE]  }
0x30: {  	s3 =	sld [smem:$0x3FB1]  }
0x31: {  	[smem:$0x3FBA] =	sst s10  }
0x32: {  	s10 =	sld [smem:$0x3FB8];
	_ =	sdelay $0x3  }
0x33: {  	p0 =	seq.s32 s10, $0x1;
	s10 =	sld [smem:$0x3FBA];
	_ =	sdelay $0x3  }
0x34: {  	[smem:$0x3FBA] =	sst s10  }
0x35: {  	s10 =	sld [smem:$0x3FB9];
	_ =	sdelay $0x3  }
0x36: {  	p1 =	seq.s32 s10, $0x1;
	s10 =	sld [smem:$0x3FBA];
	_ =	sdelay $0x3  }
0x37: {  	[smem:$0x3FBA] =	sst s10  }
0x38: {  	s10 =	sld [smem:$0x3FBB]  }
0x39: {  	_ = 	snop;
	(pc) =	sbr.ind lr, $3  }
0x3a: {  	_ = 	snop  }
0x3b: {  	_ = 	snop  }
0x3c: {  	p2 =	seq.s32 s10, $0x1;
	s10 =	sld [smem:$0x3FBA]  }
0x3d: {  	_ =	shalt  }
0x3e: {  	_ =	shalt  }
0x3f: {  	_ =	shalt  }
0x40: {  	_ =	shalt  }
0x41: {  	_ =	shalt  }
0x42: {  	_ =	shalt  }
0x43: {  	_ =	shalt  }
0x44: {  	_ =	shalt  }
0x45: {  	_ =	shalt  }
0x46: {  	_ =	shalt  }
0x47: {  	_ =	shalt  }
0x48: {  	_ =	shalt  }
0x49: {  	_ =	shalt  }
0x4a: {  	_ =	shalt  }
0x4b: {  	_ =	shalt  }
0x4c: {  	_ =	shalt  }
0x4d: {  	_ =	shalt  }
0x4e: {  	_ =	shalt  }
0x4f: {  	_ =	shalt  }
0x50: {  	_ =	shalt  }
0x51: {  	_ =	shalt  }
0x52: {  	_ =	shalt  }
0x53: {  	_ =	shalt  }
0x54: {  	_ =	shalt  }
0x55: {  	_ =	shalt  }
0x56: {  	_ =	shalt  }
0x57: {  	_ =	shalt  }
0x58: {  	_ =	shalt  }
0x59: {  	_ =	shalt  }
0x5a: {  	_ =	shalt  }
0x5b: {  	_ =	shalt  }
0x5c: {  	_ =	shalt  }
0x5d: {  	_ =	shalt  }
0x5e: {  	_ =	shalt  }
0x5f: {  	_ =	shalt  }
0x60: {  	_ =	shalt  }
0x61: {  	_ =	shalt  }
0x62: {  	_ =	shalt  }
0x63: {  	_ =	shalt  }
0x64: {  	_ =	shalt  }
0x65: {  	_ =	shalt  }
0x66: {  	_ =	shalt  }
0x67: {  	_ =	shalt  }
0x68: {  	_ =	shalt  }
0x69: {  	_ =	shalt  }
0x6a: {  	_ =	shalt  }
0x6b: {  	_ =	shalt  }
0x6c: {  	_ =	shalt  }
0x6d: {  	_ =	shalt  }
0x6e: {  	_ =	shalt  }
0x6f: {  	_ =	shalt  }
0x70: {  	_ =	shalt  }
0x71: {  	_ =	shalt  }
0x72: {  	_ =	shalt  }
0x73: {  	_ =	shalt  }
0x74: {  	_ =	shalt  }
0x75: {  	_ =	shalt  }
0x76: {  	_ =	shalt  }
0x77: {  	_ =	shalt  }
0x78: {  	_ =	shalt  }
0x79: {  	_ =	shalt  }
0x7a: {  	_ =	shalt  }
0x7b: {  	_ =	shalt  }
0x7c: {  	_ =	shalt  }
0x7d: {  	_ =	shalt  }
0x7e: {  	_ =	shalt  }
0x7f: {  	_ =	shalt  }
0x80: {  	_ =	shalt  }
0x81: {  	_ =	shalt  }
0x82: {  	_ =	shalt  }
0x83: {  	_ =	shalt  }
0x84: {  	_ =	shalt  }
0x85: {  	_ =	shalt  }
0x86: {  	_ =	shalt  }
0x87: {  	_ =	shalt  }
.Lfunc_end0:
.L_simem_size_0:
called_computation_lowered:
.L_overlay_start_0:
0x88: {  	s2 =	sld [smem:$0x3FD9]  }
0x89: {  	s3 =	sld [smem:$0x3FFE];
	_ =	sdelay $0x1  }
0x8a: {  	s1 =	srdreg.scid  }
0x8b: {  	s0 =	sand.u32 $0x1, s1  }
0x8c: {  	s17 =	sshll.u32 s0, $0xA;
	s2 =	sadd.s32 s3, s2  }
0x8d: {  	s2 =	sadd.s32 s2, s17  }
0x8e: {  	[smem:$0x3FC6] =	sst s2  }
0x8f: {  	_ = 	snop  }
0x90: {  	s2 =	sld [smem:$0x3FC8];
	(tm) =	ssettm $0x1  }
0x91: {  	s18 =	sld [smem:$0x3FFB];
	_ =	sdelay $0x3  }
0x92: {  	_ =	strace s18  }
0x93: {  	s3 =	sld [smem:$0x3FFC];
	_ =	sdelay $0x3  }
0x94: {  	_ =	strace s3  }
0x95: {  	s3 =	sld [smem:$0x3FFD];
	_ =	sdelay $0x3  }
0x96: {  	_ =	strace s3  }
0x97: {  	_ =	strace $0x8FFFFFFF  }
0x98: {  	s19 =	sld [smem:$0x3FDB];
	_ =	sdelay $0x1  }
0x99: {  	s4 =	simm.s32 $_scs_section_size  }
0x9a: {  	s5 =	simm.s32 $_size__tile_overlayer_lowered;
	s6 =	simm.s32 $_tile_overlayer_lowered  }
0x9b: {  	s22 =	simm.s32 $0x1BFF;
	s21 =	sshll.u32 s6, $0x1;
	s3 =	sadd.s32 s4, s19  }
0x9c: {  	s7 =	simm.s32 $0x0;
	s20 =	sshll.u32 s5, $0x1;
	s5 =	sadd.s32 s21, s3  }
0x9d: {  	[timem:s7], [sflag:s22] =	dma.local [hbm:s5], s20  }
0x9e: {  	_ =	swait.ge [sflag:s22], s20  }
0x9f: {  	s4 =	ssub.s32 $0x0, s20;
	[sflag:s22] =	ssyncset.done $0x0  }
0xa0: {  	[sflag:s22] =	ssyncadd.s32 s4;
	_ =	sdelay $0x1  }
0xa1: {  	s23 =	simm.s32 $0x1B8B  }
0xa2: {  	_ =	swait.ge [sflag:s23], $0x1  }
0xa3: {  	[sflag:s23] =	ssyncset.done $0x0  }
0xa4: {  	s25 =	simm.s32 $0x1B8E;
	s24 =	sld [smem:$0x3FFE];
	[sflag:s23] =	ssyncadd.s32 $0xFFFFFFFF  }
0xa5: {  	s26 =	simm.s32 $execute0_lowered;
	[smem:$0x3FD2] =	sst s25  }
0xa6: {  	s5 =	sshll.u32 s26, $0x1;
	_ =	strace $0x80000046;
	[dreg:$0x1] =	wrdreg $0xFFFFFFFF  }
0xa7: {  	s28 =	simm.s32 $_size_execute0_lowered;
	s3 =	sadd.s32 s3, s5;
	[dreg:$0x0] =	wrdreg $0x0  }
0xa8: {  	s5 =	sshll.u32 s28, $0x1;
	[dreg:$0x2] =	wrdreg s3  }
0xa9: {  	[dreg:$0x3] =	wrdreg s5  }
0xaa: {  	[dreg:$0x4] =	wrdreg $0xC0  }
0xab: {  	_ =	task [dreg:s7], $0x5FFFF  }
0xac: {  	[dreg:$0x1] =	wrdreg $0xFFFFFFFF  }
0xad: {  	[dreg:$0x0] =	wrdreg $0x60  }
0xae: {  	[dreg:$0x2] =	wrdreg s24  }
0xaf: {  	[dreg:$0x3] =	wrdreg s2  }
0xb0: {  	[dreg:$0x4] =	wrdreg $0x9  }
0xb1: {  	_ =	task.clear_ibuf [dreg:s7], $0x5FFFF;
	_ =	strace $0x90000046  }
0xb2: {  	s29 =	simm.s32 $0x9;
	_ =	strace $0x80000048  }
0xb3: {  	_ =	swait.ge [sflag:s29], $0x1  }
0xb4: {  	[sflag:s29] =	ssyncadd.s32 $0xFFFFFFFF  }
0xb5: {  	_ =	strace $0x90000048  }
0xb6: {  	_ =	sfence  }
0xb7: {  	s30 =	sld [smem:$0x0];
	_ =	sdelay $0x2  }
0xb8: {  	s31 =	sshll.u32 s1, $0xD;
	s1 =	sshrl.u32 s1, $0x2  }
0xb9: {  	s3 =	sand.u32 $0x4000, s31;
	s1 =	sadd.s32 s1, s30  }
0xba: {  	s0 =	sor.u32 s3, s0;
	s1 =	sshll.u32 s1, $0x11  }
0xbb: {  	s0 =	sor.u32 s1, s0  }
0xbc: {  	s0 =	sadd.s32 $0x8F2B, s0  }
0xbd: {  	[sflag:s0] =	ssyncadd.remote.s32 $0x1  }
0xbe: {  	_ =	sfence.sel $0xFFFF  }
0xbf: {  	[dreg:$0x0] =	wrdreg $0xFFFFFFFF;
	(pc) =	sbr.abs _section_cstart, $3  }
0xc0: {  	[dreg:$0x1] =	wrdreg $0xFFFFFFFF  }
0xc1: {  	_ =	task.clear_ibuf [dreg:s7], $0x2FFFF;
	_ =	strace $0x9FFFFFFF  }
0xc2: {  	(tm) =	ssettm $0x7FFFFFFF  }
0xc3: {  	_ =	shalt  }
tec
execute0_lowered:
.L_overlay_start_1:
0x0: {  	(tag) =	ssettag $0x1  }
0x1: {  	s1 =	srdreg.scid  }
0x2: {  	s0 =	stileid.u32;
	s6 =	sand.u32 $0x1, s1  }
0x3: {  	s7 =	rddreg [dreg:$0x0];
	s31 =	sshll.u32 s0, $0x8;
	s2 =	sshll.u32 s6, $0x7  }
0x4: {  	s3 =	rddreg [dreg:$0x1];
	s8 =	sor.u32 s2, s31  }
0x5: {  	s1 =	rddreg [dreg:$0x2];
	s2 =	simm.s32 $0x0;
	s4 =	sshrl.u32 s8, $0x3  }
0x6: {  	[smem:$0x7FF] =	sst s2;
	s4 =	sadd.s32 s4, s7  }
0x7: {  	_ =	strace $0x80000047;
	s5 =	sadd.s32 $0x1200, s4;
	s4 =	simm.s32 $0x2  }
0x8: {  	[tilespmem:s2], [sflag:$0x2] =	stream.linear.gather [hbm4b:s5+s2], $0x80, $0x38;
	[tilespmem:$0x4100] =	vst v63  }
0x9: {  	_ =	swait.ge [sflag:s4], $0x80  }
0xa: {  	[sflag:s4] =	ssyncset.done $0x0  }
0xb: {  	[sflag:s4] =	ssyncadd.s32 $0xFFFFFF80  }
0xc: {  	v0 =	vld [tilespmem:$0x50]  }
0xd: {  	v1 =	vld [tilespmem:$0x30]  }
0xe: {  	v2 =	vld [tilespmem:$0x20]  }
0xf: {  	s6 =	ssub.s32 $0x2, s6;
	v3 =	vld [tilespmem:$0x10]  }
0x10: {  	s9 =	sshrl.u32 s6, $0x1;
	v4 =	vld [tilespmem:$0x40]  }
0x11: {  	s6 =	ssub.s32 s6, s9;
	v5 =	vld [tilespmem:$0x0];
	vm0 =	vlt.s32 v0, $0xF423F  }
0x12: {  	s10 =	smax.u32 s6, $0x1;
	v6 =	vld [tilespmem:$0x60];
	vm1 =	vlt.s32 v1, $0xF423F;
	v0 =	vnsel vm0, $0xF423F, v0  }
0x13: {  	p0 =	sne.s32 s10, $0x1;
	vm0 =	vlt.s32 v2, $0xF423F;
	v1 =	vnsel vm1, $0xF423F, v1;
	[tilespmem:$0xD0] =	vst v0;
	v0 =	vld [tilespmem:$0x70]  }
.Ltmp0:
0x14: {  	vm1 =	vlt.s32 v3, $0xF423F;
	v2 =	vnsel vm0, $0xF423F, v2;
	[tilespmem:$0xB0] =	vst v1;
	(pc) =	sbr.rel @!p0 .LBB2_2-.Ltmp0, $4  }
0x15: {  	v1 =	vnsel vm1, $0xF423F, v3;
	vm0 =	vlt.s32 v4, $0xF423F;
	[tilespmem:$0xA0] =	vst v2  }
0x16: {  	s8 =	sshll.u32 s8, $0x4;
	vm1 =	vlt.s32 v5, $0xF423F;
	[tilespmem:$0x90] =	vst v1;
	v1 =	vnsel vm0, $0xF423F, v4  }
0x17: {  	s9 =	simm.s32 $0x1;
	s7 =	sadd.s32 s8, s7;
	s8 =	simm.s32 $0x100;
	v2 =	vnsel vm1, $0xF423F, v5;
	vm0 =	vlt.s32 v6, $0xF423F;
	[tilespmem:$0xC0] =	vst v1  }
0x18: {  	s6 =	sadd.s32 $0x1400, s7;
	s7 =	simm.s32 $0x80;
	s10 =	sadd.s32 $0xFFFFFFFF, s10;
	[tilespmem:$0x80] =	vst v2;
	v1 =	vnsel vm0, $0xF423F, v6;
	vm0 =	vlt.s32 v0, $0xF423F  }
.LBB2_1:
0x19: {  	p0 =	sne.s32 s10, $0x1;
	s10 =	sadd.s32 $0xFFFFFFFF, s10;
	[tilespmem:$0xE0] =	vst v1;
	v0 =	vnsel vm0, $0xF423F, v0  }
0x1a: {  	[tilespmem:$0xF0] =	vst v0  }
0x1b: {  	[tilespmem:s8], [sflag:$0x1] =	stream.indirect.gather [hbm4b:s3+s7], $0x80, s7, s7, $0xb8;
	[tilespmem:$0x4100] =	vst v63  }
0x1c: {  	_ =	swait.ge [sflag:s9], $0x4000  }
0x1d: {  	[sflag:s9] =	ssyncset.done $0x0  }
0x1e: {  	[sflag:s9] =	ssyncadd.s32 $0xFFFFC000  }
0x1f: {  	[hbm4b:s6+s2] =	stream.linear.scatter [tilespmem:s8], [sflag:$0x2], $0x4000, $0x38;
	[tilespmem:$0x4100] =	vst v63  }
0x20: {  	_ =	swait.ge [sflag:s4], $0x4000  }
0x21: {  	[sflag:s4] =	ssyncset.done $0x0  }
0x22: {  	[sflag:s4] =	ssyncadd.s32 $0xFFFFC000  }
0x23: {  	[tilespmem:s2], [sflag:$0x2] =	stream.linear.gather [hbm4b:s5+s2], $0x80, $0x38;
	[tilespmem:$0x4100] =	vst v63  }
0x24: {  	_ =	swait.ge [sflag:s4], $0x80  }
0x25: {  	[sflag:s4] =	ssyncset.done $0x0  }
0x26: {  	[sflag:s4] =	ssyncadd.s32 $0xFFFFFF80  }
0x27: {  	v0 =	vld [tilespmem:$0x50]  }
0x28: {  	v1 =	vld [tilespmem:$0x30]  }
0x29: {  	v2 =	vld [tilespmem:$0x20]  }
0x2a: {  	v3 =	vld [tilespmem:$0x10]  }
0x2b: {  	v4 =	vld [tilespmem:$0x40]  }
0x2c: {  	v5 =	vld [tilespmem:$0x0];
	vm0 =	vlt.s32 v0, $0xF423F  }
0x2d: {  	vm1 =	vlt.s32 v1, $0xF423F;
	v0 =	vnsel vm0, $0xF423F, v0;
	v6 =	vld [tilespmem:$0x60]  }
0x2e: {  	vm0 =	vlt.s32 v2, $0xF423F;
	v1 =	vnsel vm1, $0xF423F, v1;
	[tilespmem:$0xD0] =	vst v0;
	v0 =	vld [tilespmem:$0x70]  }
.Ltmp1:
0x2f: {  	vm1 =	vlt.s32 v3, $0xF423F;
	v2 =	vnsel vm0, $0xF423F, v2;
	[tilespmem:$0xB0] =	vst v1;
	(pc) =	sbr.rel @p0 .LBB2_1-.Ltmp1, $4  }
0x30: {  	v1 =	vnsel vm1, $0xF423F, v3;
	[tilespmem:$0xA0] =	vst v2;
	vm0 =	vlt.s32 v4, $0xF423F  }
0x31: {  	vm1 =	vlt.s32 v5, $0xF423F;
	[tilespmem:$0x90] =	vst v1;
	v1 =	vnsel vm0, $0xF423F, v4  }
0x32: {  	v2 =	vnsel vm1, $0xF423F, v5;
	[tilespmem:$0xC0] =	vst v1;
	vm0 =	vlt.s32 v6, $0xF423F  }
0x33: {  	[tilespmem:$0x80] =	vst v2;
	v1 =	vnsel vm0, $0xF423F, v6;
	vm0 =	vlt.s32 v0, $0xF423F  }
.LBB2_2:
0x34: {  	[tilespmem:$0xE0] =	vst v1;
	v0 =	vnsel vm0, $0xF423F, v0  }
0x35: {  	[tilespmem:$0xF0] =	vst v0  }
0x36: {  	[tilespmem:s8], [sflag:$0x1] =	stream.indirect.gather [hbm4b:s3+s7], $0x80, s7, s7, $0xb8;
	[tilespmem:$0x4100] =	vst v63  }
0x37: {  	_ =	swait.ge [sflag:s9], $0x4000  }
0x38: {  	[sflag:s9] =	ssyncset.done $0x0  }
0x39: {  	[sflag:s9] =	ssyncadd.s32 $0xFFFFC000  }
0x3a: {  	[hbm4b:s6+s2] =	stream.linear.scatter [tilespmem:s8], [sflag:$0x2], $0x4000, $0x38;
	[tilespmem:$0x4100] =	vst v63  }
0x3b: {  	_ =	swait.ge [sflag:s4], $0x4000  }
0x3c: {  	[sflag:s4] =	ssyncset.done $0x0  }
0x3d: {  	[sflag:s4] =	ssyncadd.s32 $0xFFFFC000  }
0x3e: {  	_ =	sfence.sel $0x180000  }
0x3f: {  	[bflag:$0x0] =	sbarrier.arrive $0xFFFF  }
0x40: {  	p0 =	sne.s32 s0, $0x0;
	_ =	strace $0x90000047  }
0x41: {  	s0 =	sadd.s32 @!p0 $0x100000, s1;
	[bflag:$0x2] =	sbarrier.arrive $0xFFFF  }
0x42: {  	[sflag:s0] =	ssyncadd.tile.s32 @!p0 $0x1;
	_ =	shalt  }
.Lfunc_end2:
_tile_overlayer_lowered:
.L_overlay_start_2:
0x43: {  	(tag) =	ssettag $0x2  }
0x44: {  	s0 =	rddreg [dreg:$0x0];
	s2 =	stileid.u32  }
0x45: {  	s1 =	rddreg [dreg:$0x1];
	p0 =	sne.s32 s2, $0x0  }
0x46: {  	s3 =	rddreg [dreg:$0x2];
	[bflag:$0x3] =	sbarrier.arrive $0xFFFF;
	s2 =	simm.s32 @!p0 $0x1C02  }
0x47: {  	[timem:s3], [sflag:s2] =	dma.local @!p0 [hbm:s0], s1  }
0x48: {  	s0 =	simm.s32 @!p0 $0x2  }
0x49: {  	_ =	swait.ge @!p0 [sflag:s0], s1  }
0x4a: {  	s1 =	ssub.s32 @!p0 $0x0, s1;
	[sflag:s0] =	ssyncset.done @!p0 $0x0  }
0x4b: {  	[sflag:s0] =	ssyncadd.s32 @!p0 s1  }
0x4c: {  	[bflag:$0x3] =	sbarrier.arrive $0xFFFF  }
0x4d: {  	_ =	shalt  }

</sc_bundles>
